<compile_context>
chip_gen: v7x
topology: tpu7x:2x2x1
jax: 0.10.2.dev20260603
libtpu: 0.0.44.dev20260713+nightly
codegen_flags: <defaults>
</compile_context>

<pallas_src>
import jax
import jax.numpy as jnp
from jax import lax
from jax.experimental import pallas as pl
from jax.experimental.pallas import tpu as pltpu
from jax.experimental.pallas import tpu_sc as plsc

B = 16384
NROWS = 1000000
GMF_DIM = 16
MLP_DIM = 32
NC = 2
NS = 16
NW = NC * NS
BPW = B // NW
CHUNK = 128
NCHUNK = BPW // CHUNK
IDX_ROWS = B // CHUNK


def _sc_gather_body(u2, i2, gue_f, gie_f, gub, gib, mue_f, mie_f,
                    gu_o, gi_o, bu_o, bi_o, mu_o, mi_o,
                    idx_u, idx_i, gu_vt, gi_vt, bu_v, bi_v, mu_vt, mi_vt,
                    sem):
    c = lax.axis_index("c")
    s = lax.axis_index("s")
    wid = s * NC + c
    r0 = wid * NCHUNK
    b0 = wid * BPW

    pltpu.sync_copy(u2.at[pl.ds(r0, NCHUNK)], idx_u)
    pltpu.sync_copy(i2.at[pl.ds(r0, NCHUNK)], idx_i)

    def gmf_feature(f, carry):
        off = f * NPAD
        for j in range(NCHUNK):
            sl = pl.ds(j * CHUNK, CHUNK)
            pltpu.async_copy(gue_f.at[pl.ds(off, NROWS)].at[idx_u.at[j]],
                             gu_vt.at[f, sl], sem)
            pltpu.async_copy(gie_f.at[pl.ds(off, NROWS)].at[idx_i.at[j]],
                             gi_vt.at[f, sl], sem)
        return carry

    lax.fori_loop(0, GMF_DIM, gmf_feature, 0)

    def mlp_feature(f, carry):
        off = f * NPAD
        for j in range(NCHUNK):
            sl = pl.ds(j * CHUNK, CHUNK)
            pltpu.async_copy(mue_f.at[pl.ds(off, NROWS)].at[idx_u.at[j]],
                             mu_vt.at[f, sl], sem)
            pltpu.async_copy(mie_f.at[pl.ds(off, NROWS)].at[idx_i.at[j]],
                             mi_vt.at[f, sl], sem)
        return carry

    lax.fori_loop(0, MLP_DIM, mlp_feature, 0)

    for j in range(NCHUNK):
        sl = pl.ds(j * CHUNK, CHUNK)
        pltpu.async_copy(gub.at[idx_u.at[j]], bu_v.at[sl], sem)
        pltpu.async_copy(gib.at[idx_i.at[j]], bi_v.at[sl], sem)

    bsl = pl.ds(b0, BPW)
    pltpu.make_async_copy(gu_o.at[:, bsl], gu_vt, sem).wait()
    pltpu.make_async_copy(gi_o.at[:, bsl], gi_vt, sem).wait()
    pltpu.make_async_copy(mu_o.at[:, bsl], mu_vt, sem).wait()
    pltpu.make_async_copy(mi_o.at[:, bsl], mi_vt, sem).wait()
    pltpu.make_async_copy(bu_o.at[0, bsl], bu_v, sem).wait()
    pltpu.make_async_copy(bi_o.at[0, bsl], bi_v, sem).wait()

    pltpu.sync_copy(gu_vt, gu_o.at[:, bsl])
    pltpu.sync_copy(gi_vt, gi_o.at[:, bsl])
    pltpu.sync_copy(mu_vt, mu_o.at[:, bsl])
    pltpu.sync_copy(mi_vt, mi_o.at[:, bsl])
    pltpu.sync_copy(bu_v, bu_o.at[0, bsl])
    pltpu.sync_copy(bi_v, bi_o.at[0, bsl])


@jax.jit
def _sc_gather(u2, i2, gue_f, gie_f, gub, gib, mue_f, mie_f):
    mesh = plsc.VectorSubcoreMesh(core_axis_name="c", subcore_axis_name="s")
    f = pl.kernel(
        _sc_gather_body,
        out_type=[
            jax.ShapeDtypeStruct((GMF_DIM, B), jnp.float32),
            jax.ShapeDtypeStruct((GMF_DIM, B), jnp.float32),
            jax.ShapeDtypeStruct((1, B), jnp.float32),
            jax.ShapeDtypeStruct((1, B), jnp.float32),
            jax.ShapeDtypeStruct((MLP_DIM, B), jnp.float32),
            jax.ShapeDtypeStruct((MLP_DIM, B), jnp.float32),
        ],
        mesh=mesh,
        scratch_types=[
            pltpu.VMEM((NCHUNK, CHUNK), jnp.int32),
            pltpu.VMEM((NCHUNK, CHUNK), jnp.int32),
            pltpu.VMEM((GMF_DIM, BPW), jnp.float32),
            pltpu.VMEM((GMF_DIM, BPW), jnp.float32),
            pltpu.VMEM((BPW,), jnp.float32),
            pltpu.VMEM((BPW,), jnp.float32),
            pltpu.VMEM((MLP_DIM, BPW), jnp.float32),
            pltpu.VMEM((MLP_DIM, BPW), jnp.float32),
            pltpu.SemaphoreType.DMA,
        ],
        compiler_params=pltpu.CompilerParams(use_tc_tiling_on_sc=False),
    )
    return f(u2, i2, gue_f, gie_f, gub, gib, mue_f, mie_f)


MAIN = 999936
NPAD = 1000064
TPW = 7812 // NW


def _make_detile_body(nfeat, chunk_tiles):
    cw = chunk_tiles * 128
    nfull = TPW // chunk_tiles
    rem_tiles = TPW - nfull * chunk_tiles
    assert nfull % 2 == 0

    def body(src_a, src_b, aux_a, aux_b, out_a, out_b,
             buf0, buf1, tail, semr0, semr1, semw):
        c = lax.axis_index("c")
        s = lax.axis_index("s")
        wid = s * NC + c
        base = wid * TPW * 128

        for src, aux, out in ((src_a, aux_a, out_a), (src_b, aux_b, out_b)):
            dummy = src.at[:, pl.ds(0, cw)]

            def start_read(g, buf, semr):
                c0 = pl.multiple_of(base + g * cw, 128)
                pltpu.async_copy(src.at[:, pl.ds(c0, cw)], buf, semr)

            def phase(g, buf, semr):
                c0 = pl.multiple_of(base + g * cw, 128)
                pltpu.make_async_copy(dummy, buf, semr).wait()
                for f in range(nfeat):
                    pltpu.async_copy(buf.at[f],
                                     out.at[pl.ds(f * NPAD + c0, cw)], semw)
                pltpu.make_async_copy(dummy, buf, semw).wait()

                @pl.when(g + 2 < nfull)
                def _():
                    start_read(g + 2, buf, semr)

            start_read(0, buf0, semr0)
            start_read(1, buf1, semr1)

            def pair(g2, carry):
                phase(2 * g2, buf0, semr0)
                phase(2 * g2 + 1, buf1, semr1)
                return carry

            lax.fori_loop(0, nfull // 2, pair, 0)

            if rem_tiles:
                rw = rem_tiles * 128
                c0 = pl.multiple_of(base + nfull * cw, 128)
                pltpu.sync_copy(src.at[:, pl.ds(c0, rw)],
                                buf0.at[:, pl.ds(0, rw)])
                for f in range(nfeat):
                    pltpu.sync_copy(buf0.at[f, pl.ds(0, rw)],
                                    out.at[pl.ds(f * NPAD + c0, rw)])
            leftover = 7812 * 128 - NW * TPW * 128
            if leftover:
                @pl.when(wid == 0)
                def _():
                    c0 = NW * TPW * 128
                    pltpu.sync_copy(src.at[:, pl.ds(c0, leftover)],
                                    buf0.at[:, pl.ds(0, leftover)])
                    for f in range(nfeat):
                        pltpu.sync_copy(
                            buf0.at[f, pl.ds(0, leftover)],
                            out.at[pl.ds(f * NPAD + c0, leftover)])
            @pl.when(wid == 1)
            def _():
                pltpu.sync_copy(aux, tail)
                for f in range(nfeat):
                    pltpu.sync_copy(tail.at[pl.ds(f * 128, 128)],
                                    out.at[pl.ds(f * NPAD + MAIN, 128)])

    return body


def _detile_pair(src_a, src_b, aux_a, aux_b, chunk_tiles):
    nfeat = src_a.shape[0]
    mesh = plsc.VectorSubcoreMesh(core_axis_name="c", subcore_axis_name="s")
    f = pl.kernel(
        _make_detile_body(nfeat, chunk_tiles),
        out_type=[
            jax.ShapeDtypeStruct((nfeat * NPAD,), jnp.float32),
            jax.ShapeDtypeStruct((nfeat * NPAD,), jnp.float32),
        ],
        mesh=mesh,
        scratch_types=[
            pltpu.VMEM((nfeat, chunk_tiles * 128), jnp.float32),
            pltpu.VMEM((nfeat, chunk_tiles * 128), jnp.float32),
            pltpu.VMEM((nfeat * 128,), jnp.float32),
            pltpu.SemaphoreType.DMA,
            pltpu.SemaphoreType.DMA,
            pltpu.SemaphoreType.DMA,
        ],
        compiler_params=pltpu.CompilerParams(use_tc_tiling_on_sc=True),
    )
    return f(src_a, src_b, aux_a, aux_b)


BLK = 2048


def _tc_body(gu, gi, bu, bi, mu, mi, w1a, w1b, b1, w2, b2, wfh, sc, out):
    h = jnp.dot(w1a[...], mu[...], preferred_element_type=jnp.float32)
    h += jnp.dot(w1b[...], mi[...], preferred_element_type=jnp.float32)
    h = jnp.maximum(h + b1[...], 0.0)
    h = jnp.maximum(jnp.dot(w2[...], h, preferred_element_type=jnp.float32)
                    + b2[...], 0.0)
    gmf = (jnp.sum(gu[...] * gi[...], axis=0, keepdims=True)
           + bu[...] + bi[...])
    scv = sc[...]
    out[...] = (gmf * scv[0:1, 0:1]
                + jnp.dot(wfh[...], h, preferred_element_type=jnp.float32)
                + scv[0:1, 1:2])


@jax.jit
def _tc_mlp(gu, gi, bu, bi, mu, mi, w1a, w1b, b1, w2, b2, wfh, sc):
    grid = B // BLK
    full = lambda i: (0, 0)
    blk_col = lambda i: (0, i)
    return pl.pallas_call(
        _tc_body,
        grid=(grid,),
        in_specs=[
            pl.BlockSpec((GMF_DIM, BLK), blk_col),
            pl.BlockSpec((GMF_DIM, BLK), blk_col),
            pl.BlockSpec((1, BLK), blk_col),
            pl.BlockSpec((1, BLK), blk_col),
            pl.BlockSpec((MLP_DIM, BLK), blk_col),
            pl.BlockSpec((MLP_DIM, BLK), blk_col),
            pl.BlockSpec((32, MLP_DIM), full),
            pl.BlockSpec((32, MLP_DIM), full),
            pl.BlockSpec((32, 1), full),
            pl.BlockSpec((16, 32), full),
            pl.BlockSpec((16, 1), full),
            pl.BlockSpec((1, 16), full),
            pl.BlockSpec((1, 2), full),
        ],
        out_specs=pl.BlockSpec((1, BLK), blk_col),
        out_shape=jax.ShapeDtypeStruct((1, B), jnp.float32),
    )(gu, gi, bu, bi, mu, mi, w1a, w1b, b1, w2, b2, wfh, sc)


def kernel(user_ids, item_ids, gmf_user_emb, gmf_item_emb, gmf_user_bias,
           gmf_item_bias, mlp_user_emb, mlp_item_emb, W1, b1, W2, b2, Wf, bf):
    u2 = user_ids.astype(jnp.int32).reshape(IDX_ROWS, CHUNK)
    i2 = item_ids.astype(jnp.int32).reshape(IDX_ROWS, CHUNK)
    def aux(t):
        return jnp.pad(t[MAIN:], ((0, 64), (0, 0))).T.reshape(-1)

    gue_f, gie_f = _detile_pair(gmf_user_emb.T, gmf_item_emb.T,
                                aux(gmf_user_emb), aux(gmf_item_emb), 30)
    mue_f, mie_f = _detile_pair(mlp_user_emb.T, mlp_item_emb.T,
                                aux(mlp_user_emb), aux(mlp_item_emb), 15)
    gu, gi, bu, bi, mu, mi = _sc_gather(
        u2, i2, gue_f, gie_f, gmf_user_bias, gmf_item_bias, mue_f, mie_f)
    scpair = jnp.concatenate([Wf[0:1, 0], bf]).reshape(1, 2)
    pred = _tc_mlp(
        gu, gi, bu, bi, mu, mi,
        W1[:MLP_DIM].T, W1[MLP_DIM:].T, b1.reshape(MLP_DIM, 1),
        W2.T, b2.reshape(16, 1), Wf[1:].reshape(1, 16), scpair)
    return pred.reshape(-1)

# --- scband reference (transcript-rebuilt; emitter-appended) ---
"""Pipeline reference for scband-neu-mf-81269371175199 (READ-ONLY COPY).

The authoritative reference and input builder live on the scoring server;
editing this copy changes nothing except your own understanding.
"""

import jax, jax.numpy as jnp
import numpy as np

NU = 1000000
NI = 1000000
B = 16384
GMF_DIM = 16
MLP_DIM = 32
MLP_LAYERS = [64, 32, 16]


def setup_inputs(seed: int = 0) -> dict:
    key = jax.random.key(seed)
    ks = jax.random.split(key, 16)
    s = 0.02
    inp = {
        "user_ids": jax.random.randint(ks[0], (B,), 0, NU),
        "item_ids": jax.random.randint(ks[1], (B,), 0, NI),
        # BiasedGMF parameters
        "gmf_user_emb": jax.random.normal(ks[2], (NU, GMF_DIM), dtype=jnp.float32) * s,
        "gmf_item_emb": jax.random.normal(ks[3], (NI, GMF_DIM), dtype=jnp.float32) * s,
        "gmf_user_bias": jax.random.normal(ks[4], (NU,), dtype=jnp.float32) * s,
        "gmf_item_bias": jax.random.normal(ks[5], (NI,), dtype=jnp.float32) * s,
        # MLP tower parameters
        "mlp_user_emb": jax.random.normal(ks[6], (NU, MLP_DIM), dtype=jnp.float32) * s,
        "mlp_item_emb": jax.random.normal(ks[7], (NI, MLP_DIM), dtype=jnp.float32) * s,
        "W1": jax.random.normal(ks[8], (MLP_LAYERS[0], MLP_LAYERS[1]), dtype=jnp.float32) * (1.0 / np.sqrt(MLP_LAYERS[0])),
        "b1": jnp.zeros((MLP_LAYERS[1],), dtype=jnp.float32),
        "W2": jax.random.normal(ks[9], (MLP_LAYERS[1], MLP_LAYERS[2]), dtype=jnp.float32) * (1.0 / np.sqrt(MLP_LAYERS[1])),
        "b2": jnp.zeros((MLP_LAYERS[2],), dtype=jnp.float32),
        # final prediction: input = 1 (gmf) + mlp_layers[-1]
        "Wf": jax.random.normal(ks[10], (1 + MLP_LAYERS[2], 1), dtype=jnp.float32) * (1.0 / np.sqrt(1 + MLP_LAYERS[2])),
        "bf": jnp.zeros((1,), dtype=jnp.float32),
    }
    return inp


def reference(user_ids, item_ids, gmf_user_emb, gmf_item_emb, gmf_user_bias, gmf_item_bias,
              mlp_user_emb, mlp_item_emb, W1, b1, W2, b2, Wf, bf):
    # BiasedGMF: elementwise product of embeddings summed + user/item biases -> [B]
    gu = jnp.take(gmf_user_emb, user_ids, axis=0)
    gi = jnp.take(gmf_item_emb, item_ids, axis=0)
    gmf_out = jnp.sum(gu * gi, axis=1) + jnp.take(gmf_user_bias, user_ids) + jnp.take(gmf_item_bias, item_ids)
    # MLP tower with output_features=True (returns last hidden layer features)
    mu = jnp.take(mlp_user_emb, user_ids, axis=0)
    mi = jnp.take(mlp_item_emb, item_ids, axis=0)
    h = jnp.concatenate([mu, mi], axis=1)
    h = jax.nn.relu(h @ W1 + b1)  # dropout is identity at inference
    h = jax.nn.relu(h @ W2 + b2)
    combined = jnp.concatenate([gmf_out[:, None], h], axis=1)
    pred = combined @ Wf + bf
    return pred.reshape(-1)

if __name__ == "__main__":
    import jax
    _d = setup_inputs()
    print(jax.jit(kernel)(*tuple(_d.values())))

</pallas_src>

<mosaic_0001>
#map = affine_map<(d0, d1) -> (0, 0)>
#map1 = affine_map<(d0, d1) -> (0)>
module attributes {stable_mosaic.version = 14 : i64} {
  func.func @_sc_gather_body(%arg0: i32, %arg1: i32, %arg2: memref<128x128xi32, #tpu.memory_space<hbm>>, %arg3: memref<128x128xi32, #tpu.memory_space<hbm>>, %arg4: memref<16001024xf32, #tpu.memory_space<hbm>>, %arg5: memref<16001024xf32, #tpu.memory_space<hbm>>, %arg6: memref<1000000xf32, #tpu.memory_space<hbm>>, %arg7: memref<1000000xf32, #tpu.memory_space<hbm>>, %arg8: memref<32002048xf32, #tpu.memory_space<hbm>>, %arg9: memref<32002048xf32, #tpu.memory_space<hbm>>, %arg10: memref<16x16384xf32, #tpu.memory_space<hbm>>, %arg11: memref<16x16384xf32, #tpu.memory_space<hbm>>, %arg12: memref<1x16384xf32, #tpu.memory_space<hbm>>, %arg13: memref<1x16384xf32, #tpu.memory_space<hbm>>, %arg14: memref<32x16384xf32, #tpu.memory_space<hbm>>, %arg15: memref<32x16384xf32, #tpu.memory_space<hbm>>, %arg16: memref<4x128xi32, #tpu.memory_space<vmem>>, %arg17: memref<4x128xi32, #tpu.memory_space<vmem>>, %arg18: memref<16x512xf32, #tpu.memory_space<vmem>>, %arg19: memref<16x512xf32, #tpu.memory_space<vmem>>, %arg20: memref<512xf32, #tpu.memory_space<vmem>>, %arg21: memref<512xf32, #tpu.memory_space<vmem>>, %arg22: memref<32x512xf32, #tpu.memory_space<vmem>>, %arg23: memref<32x512xf32, #tpu.memory_space<vmem>>, %arg24: memref<!tpu.dma_semaphore, #tpu.memory_space<semaphore_mem>>) attributes {dimension_semantics = [#tpu.dimension_semantics<core_parallel>, #tpu.dimension_semantics<subcore_parallel>], iteration_bounds = array<i64: 2, 16>, scalar_prefetch = 0 : i64, scratch_operands = 9 : i64, tpu.core_type = #tpu.core_type<sc_vector_subcore>, window_params = [{transform_indices = #map}, {transform_indices = #map}, {transform_indices = #map1}, {transform_indices = #map1}, {transform_indices = #map1}, {transform_indices = #map1}, {transform_indices = #map1}, {transform_indices = #map1}, {transform_indices = #map}, {transform_indices = #map}, {transform_indices = #map}, {transform_indices = #map}, {transform_indices = #map}, {transform_indices = #map}]} {
    %mul3A = arith.constant 2 : i32
    %mul3A_0 = arith.muli %arg1, %mul3A : i32
    %add3A = arith.addi %mul3A_0, %arg0 : i32
    %mul3A_1 = arith.constant 4 : i32
    %mul3A_2 = arith.muli %add3A, %mul3A_1 : i32
    %mul3A_3 = arith.constant 512 : i32
    %mul3A_4 = arith.muli %add3A, %mul3A_3 : i32
    "tpu.region"() ({
      %run_scoped3A_105 = tpu.sem_alloc : memref<!tpu.dma_semaphore, #tpu.memory_space<semaphore_mem>>
      %dma_start3A_106 = arith.constant 0 : i32
      %dma_start3A_107 = tpu.memref_slice %arg2[%mul3A_2, %dma_start3A_106] : memref<128x128xi32, #tpu.memory_space<hbm>> -> memref<4x128xi32, #tpu.memory_space<hbm>>
      %dma_start3A_108 = arith.constant 0 : i32
      %dma_start3A_109 = tpu.memref_slice %arg2[%mul3A_2, %dma_start3A_108] : memref<128x128xi32, #tpu.memory_space<hbm>> -> memref<4x128xi32, #tpu.memory_space<hbm>>
      tpu.enqueue_dma source(%dma_start3A_109 : memref<4x128xi32, #tpu.memory_space<hbm>>) target(%arg16 : memref<4x128xi32, #tpu.memory_space<vmem>>) target_semaphore(%run_scoped3A_105 : memref<!tpu.dma_semaphore, #tpu.memory_space<semaphore_mem>>)
      %dma_wait3A_110 = arith.constant 0 : i32
      %dma_wait3A_111 = tpu.memref_slice %arg2[%mul3A_2, %dma_wait3A_110] : memref<128x128xi32, #tpu.memory_space<hbm>> -> memref<4x128xi32, #tpu.memory_space<hbm>>
      %dma_wait3A_112 = arith.constant 0 : i32
      %dma_wait3A_113 = tpu.memref_slice %arg2[%mul3A_2, %dma_wait3A_112] : memref<128x128xi32, #tpu.memory_space<hbm>> -> memref<4x128xi32, #tpu.memory_space<hbm>>
      tpu.wait_dma2 semaphore(%run_scoped3A_105 : memref<!tpu.dma_semaphore, #tpu.memory_space<semaphore_mem>>) src(%dma_wait3A_113 : memref<4x128xi32, #tpu.memory_space<hbm>>) dst(%arg16 : memref<4x128xi32, #tpu.memory_space<vmem>>)
      tpu.yield
    }) : () -> ()
    "tpu.region"() ({
      %run_scoped3A_105 = tpu.sem_alloc : memref<!tpu.dma_semaphore, #tpu.memory_space<semaphore_mem>>
      %dma_start3A_106 = arith.constant 0 : i32
      %dma_start3A_107 = tpu.memref_slice %arg3[%mul3A_2, %dma_start3A_106] : memref<128x128xi32, #tpu.memory_space<hbm>> -> memref<4x128xi32, #tpu.memory_space<hbm>>
      %dma_start3A_108 = arith.constant 0 : i32
      %dma_start3A_109 = tpu.memref_slice %arg3[%mul3A_2, %dma_start3A_108] : memref<128x128xi32, #tpu.memory_space<hbm>> -> memref<4x128xi32, #tpu.memory_space<hbm>>
      tpu.enqueue_dma source(%dma_start3A_109 : memref<4x128xi32, #tpu.memory_space<hbm>>) target(%arg17 : memref<4x128xi32, #tpu.memory_space<vmem>>) target_semaphore(%run_scoped3A_105 : memref<!tpu.dma_semaphore, #tpu.memory_space<semaphore_mem>>)
      %dma_wait3A_110 = arith.constant 0 : i32
      %dma_wait3A_111 = tpu.memref_slice %arg3[%mul3A_2, %dma_wait3A_110] : memref<128x128xi32, #tpu.memory_space<hbm>> -> memref<4x128xi32, #tpu.memory_space<hbm>>
      %dma_wait3A_112 = arith.constant 0 : i32
      %dma_wait3A_113 = tpu.memref_slice %arg3[%mul3A_2, %dma_wait3A_112] : memref<128x128xi32, #tpu.memory_space<hbm>> -> memref<4x128xi32, #tpu.memory_space<hbm>>
      tpu.wait_dma2 semaphore(%run_scoped3A_105 : memref<!tpu.dma_semaphore, #tpu.memory_space<semaphore_mem>>) src(%dma_wait3A_113 : memref<4x128xi32, #tpu.memory_space<hbm>>) dst(%arg17 : memref<4x128xi32, #tpu.memory_space<vmem>>)
      tpu.yield
    }) : () -> ()
    %scan3A = arith.constant 0 : i32
    %scan3A_5 = arith.constant 0 : i32
    %scan3A_6 = arith.constant 16 : i32
    %scan3A_7 = arith.addi %scan3A_5, %scan3A_6 : i32
    %scan3A_8 = arith.constant 1 : i32
    scf.for %scan3A_105 = %scan3A_5 to %scan3A_7 step %scan3A_8  : i32 {
      %mul3A_106 = arith.constant 1000064 : i32
      %mul3A_107 = arith.muli %scan3A_105, %mul3A_106 : i32
      %dma_start3A_108 = arith.constant 0 : i32
      %dma_start3A_109 = arith.constant 0 : i32
      %dma_start3A_110 = tpu.memref_slice %arg18[%scan3A_105, %dma_start3A_109] : memref<16x512xf32, #tpu.memory_space<vmem>> -> memref<1x128xf32, #tpu.memory_space<vmem>>
      %dma_start3A_111 = tpu.memref_squeeze %dma_start3A_110 : memref<1x128xf32, #tpu.memory_space<vmem>> -> memref<128xf32, #tpu.memory_space<vmem>>
      %dma_start3A_112 = arith.constant 0 : i32
      %dma_start3A_113 = tpu.memref_slice %arg16[%dma_start3A_108, %dma_start3A_112] : memref<4x128xi32, #tpu.memory_space<vmem>> -> memref<1x128xi32, #tpu.memory_space<vmem>>
      %dma_start3A_114 = tpu.memref_squeeze %dma_start3A_113 : memref<1x128xi32, #tpu.memory_space<vmem>> -> memref<128xi32, #tpu.memory_space<vmem>>
      %dma_start3A_115 = tpu.memref_slice %arg4[%mul3A_107] : memref<16001024xf32, #tpu.memory_space<hbm>> -> memref<1000000xf32, #tpu.memory_space<hbm>>
      %dma_start3A_116 = arith.constant 0 : i32
      %dma_start3A_117 = tpu.memref_slice %dma_start3A_115[%dma_start3A_116] : memref<1000000xf32, #tpu.memory_space<hbm>> -> memref<1000000xf32, #tpu.memory_space<hbm>>
      tpu.enqueue_indirect_dma source(%dma_start3A_117 : memref<1000000xf32, #tpu.memory_space<hbm>>) target(%dma_start3A_111 : memref<128xf32, #tpu.memory_space<vmem>>) offsets(%dma_start3A_114 : memref<128xi32, #tpu.memory_space<vmem>>) semaphore(%arg24 : memref<!tpu.dma_semaphore, #tpu.memory_space<semaphore_mem>>)
      %dma_start3A_118 = arith.constant 0 : i32
      %dma_start3A_119 = arith.constant 0 : i32
      %dma_start3A_120 = tpu.memref_slice %arg19[%scan3A_105, %dma_start3A_119] : memref<16x512xf32, #tpu.memory_space<vmem>> -> memref<1x128xf32, #tpu.memory_space<vmem>>
      %dma_start3A_121 = tpu.memref_squeeze %dma_start3A_120 : memref<1x128xf32, #tpu.memory_space<vmem>> -> memref<128xf32, #tpu.memory_space<vmem>>
      %dma_start3A_122 = arith.constant 0 : i32
      %dma_start3A_123 = tpu.memref_slice %arg17[%dma_start3A_118, %dma_start3A_122] : memref<4x128xi32, #tpu.memory_space<vmem>> -> memref<1x128xi32, #tpu.memory_space<vmem>>
      %dma_start3A_124 = tpu.memref_squeeze %dma_start3A_123 : memref<1x128xi32, #tpu.memory_space<vmem>> -> memref<128xi32, #tpu.memory_space<vmem>>
      %dma_start3A_125 = tpu.memref_slice %arg5[%mul3A_107] : memref<16001024xf32, #tpu.memory_space<hbm>> -> memref<1000000xf32, #tpu.memory_space<hbm>>
      %dma_start3A_126 = arith.constant 0 : i32
      %dma_start3A_127 = tpu.memref_slice %dma_start3A_125[%dma_start3A_126] : memref<1000000xf32, #tpu.memory_space<hbm>> -> memref<1000000xf32, #tpu.memory_space<hbm>>
      tpu.enqueue_indirect_dma source(%dma_start3A_127 : memref<1000000xf32, #tpu.memory_space<hbm>>) target(%dma_start3A_121 : memref<128xf32, #tpu.memory_space<vmem>>) offsets(%dma_start3A_124 : memref<128xi32, #tpu.memory_space<vmem>>) semaphore(%arg24 : memref<!tpu.dma_semaphore, #tpu.memory_space<semaphore_mem>>)
      %dma_start3A_128 = arith.constant 1 : i32
      %dma_start3A_129 = arith.constant 128 : i32
      %dma_start3A_130 = tpu.memref_slice %arg18[%scan3A_105, %dma_start3A_129] : memref<16x512xf32, #tpu.memory_space<vmem>> -> memref<1x128xf32, #tpu.memory_space<vmem>>
      %dma_start3A_131 = tpu.memref_squeeze %dma_start3A_130 : memref<1x128xf32, #tpu.memory_space<vmem>> -> memref<128xf32, #tpu.memory_space<vmem>>
      %dma_start3A_132 = arith.constant 0 : i32
      %dma_start3A_133 = tpu.memref_slice %arg16[%dma_start3A_128, %dma_start3A_132] : memref<4x128xi32, #tpu.memory_space<vmem>> -> memref<1x128xi32, #tpu.memory_space<vmem>>
      %dma_start3A_134 = tpu.memref_squeeze %dma_start3A_133 : memref<1x128xi32, #tpu.memory_space<vmem>> -> memref<128xi32, #tpu.memory_space<vmem>>
      %dma_start3A_135 = tpu.memref_slice %arg4[%mul3A_107] : memref<16001024xf32, #tpu.memory_space<hbm>> -> memref<1000000xf32, #tpu.memory_space<hbm>>
      %dma_start3A_136 = arith.constant 0 : i32
      %dma_start3A_137 = tpu.memref_slice %dma_start3A_135[%dma_start3A_136] : memref<1000000xf32, #tpu.memory_space<hbm>> -> memref<1000000xf32, #tpu.memory_space<hbm>>
      tpu.enqueue_indirect_dma source(%dma_start3A_137 : memref<1000000xf32, #tpu.memory_space<hbm>>) target(%dma_start3A_131 : memref<128xf32, #tpu.memory_space<vmem>>) offsets(%dma_start3A_134 : memref<128xi32, #tpu.memory_space<vmem>>) semaphore(%arg24 : memref<!tpu.dma_semaphore, #tpu.memory_space<semaphore_mem>>)
      %dma_start3A_138 = arith.constant 1 : i32
      %dma_start3A_139 = arith.constant 128 : i32
      %dma_start3A_140 = tpu.memref_slice %arg19[%scan3A_105, %dma_start3A_139] : memref<16x512xf32, #tpu.memory_space<vmem>> -> memref<1x128xf32, #tpu.memory_space<vmem>>
      %dma_start3A_141 = tpu.memref_squeeze %dma_start3A_140 : memref<1x128xf32, #tpu.memory_space<vmem>> -> memref<128xf32, #tpu.memory_space<vmem>>
      %dma_start3A_142 = arith.constant 0 : i32
      %dma_start3A_143 = tpu.memref_slice %arg17[%dma_start3A_138, %dma_start3A_142] : memref<4x128xi32, #tpu.memory_space<vmem>> -> memref<1x128xi32, #tpu.memory_space<vmem>>
      %dma_start3A_144 = tpu.memref_squeeze %dma_start3A_143 : memref<1x128xi32, #tpu.memory_space<vmem>> -> memref<128xi32, #tpu.memory_space<vmem>>
      %dma_start3A_145 = tpu.memref_slice %arg5[%mul3A_107] : memref<16001024xf32, #tpu.memory_space<hbm>> -> memref<1000000xf32, #tpu.memory_space<hbm>>
      %dma_start3A_146 = arith.constant 0 : i32
      %dma_start3A_147 = tpu.memref_slice %dma_start3A_145[%dma_start3A_146] : memref<1000000xf32, #tpu.memory_space<hbm>> -> memref<1000000xf32, #tpu.memory_space<hbm>>
      tpu.enqueue_indirect_dma source(%dma_start3A_147 : memref<1000000xf32, #tpu.memory_space<hbm>>) target(%dma_start3A_141 : memref<128xf32, #tpu.memory_space<vmem>>) offsets(%dma_start3A_144 : memref<128xi32, #tpu.memory_space<vmem>>) semaphore(%arg24 : memref<!tpu.dma_semaphore, #tpu.memory_space<semaphore_mem>>)
      %dma_start3A_148 = arith.constant 2 : i32
      %dma_start3A_149 = arith.constant 256 : i32
      %dma_start3A_150 = tpu.memref_slice %arg18[%scan3A_105, %dma_start3A_149] : memref<16x512xf32, #tpu.memory_space<vmem>> -> memref<1x128xf32, #tpu.memory_space<vmem>>
      %dma_start3A_151 = tpu.memref_squeeze %dma_start3A_150 : memref<1x128xf32, #tpu.memory_space<vmem>> -> memref<128xf32, #tpu.memory_space<vmem>>
      %dma_start3A_152 = arith.constant 0 : i32
      %dma_start3A_153 = tpu.memref_slice %arg16[%dma_start3A_148, %dma_start3A_152] : memref<4x128xi32, #tpu.memory_space<vmem>> -> memref<1x128xi32, #tpu.memory_space<vmem>>
      %dma_start3A_154 = tpu.memref_squeeze %dma_start3A_153 : memref<1x128xi32, #tpu.memory_space<vmem>> -> memref<128xi32, #tpu.memory_space<vmem>>
      %dma_start3A_155 = tpu.memref_slice %arg4[%mul3A_107] : memref<16001024xf32, #tpu.memory_space<hbm>> -> memref<1000000xf32, #tpu.memory_space<hbm>>
      %dma_start3A_156 = arith.constant 0 : i32
      %dma_start3A_157 = tpu.memref_slice %dma_start3A_155[%dma_start3A_156] : memref<1000000xf32, #tpu.memory_space<hbm>> -> memref<1000000xf32, #tpu.memory_space<hbm>>
      tpu.enqueue_indirect_dma source(%dma_start3A_157 : memref<1000000xf32, #tpu.memory_space<hbm>>) target(%dma_start3A_151 : memref<128xf32, #tpu.memory_space<vmem>>) offsets(%dma_start3A_154 : memref<128xi32, #tpu.memory_space<vmem>>) semaphore(%arg24 : memref<!tpu.dma_semaphore, #tpu.memory_space<semaphore_mem>>)
      %dma_start3A_158 = arith.constant 2 : i32
      %dma_start3A_159 = arith.constant 256 : i32
      %dma_start3A_160 = tpu.memref_slice %arg19[%scan3A_105, %dma_start3A_159] : memref<16x512xf32, #tpu.memory_space<vmem>> -> memref<1x128xf32, #tpu.memory_space<vmem>>
      %dma_start3A_161 = tpu.memref_squeeze %dma_start3A_160 : memref<1x128xf32, #tpu.memory_space<vmem>> -> memref<128xf32, #tpu.memory_space<vmem>>
      %dma_start3A_162 = arith.constant 0 : i32
      %dma_start3A_163 = tpu.memref_slice %arg17[%dma_start3A_158, %dma_start3A_162] : memref<4x128xi32, #tpu.memory_space<vmem>> -> memref<1x128xi32, #tpu.memory_space<vmem>>
      %dma_start3A_164 = tpu.memref_squeeze %dma_start3A_163 : memref<1x128xi32, #tpu.memory_space<vmem>> -> memref<128xi32, #tpu.memory_space<vmem>>
      %dma_start3A_165 = tpu.memref_slice %arg5[%mul3A_107] : memref<16001024xf32, #tpu.memory_space<hbm>> -> memref<1000000xf32, #tpu.memory_space<hbm>>
      %dma_start3A_166 = arith.constant 0 : i32
      %dma_start3A_167 = tpu.memref_slice %dma_start3A_165[%dma_start3A_166] : memref<1000000xf32, #tpu.memory_space<hbm>> -> memref<1000000xf32, #tpu.memory_space<hbm>>
      tpu.enqueue_indirect_dma source(%dma_start3A_167 : memref<1000000xf32, #tpu.memory_space<hbm>>) target(%dma_start3A_161 : memref<128xf32, #tpu.memory_space<vmem>>) offsets(%dma_start3A_164 : memref<128xi32, #tpu.memory_space<vmem>>) semaphore(%arg24 : memref<!tpu.dma_semaphore, #tpu.memory_space<semaphore_mem>>)
      %dma_start3A_168 = arith.constant 3 : i32
      %dma_start3A_169 = arith.constant 384 : i32
      %dma_start3A_170 = tpu.memref_slice %arg18[%scan3A_105, %dma_start3A_169] : memref<16x512xf32, #tpu.memory_space<vmem>> -> memref<1x128xf32, #tpu.memory_space<vmem>>
      %dma_start3A_171 = tpu.memref_squeeze %dma_start3A_170 : memref<1x128xf32, #tpu.memory_space<vmem>> -> memref<128xf32, #tpu.memory_space<vmem>>
      %dma_start3A_172 = arith.constant 0 : i32
      %dma_start3A_173 = tpu.memref_slice %arg16[%dma_start3A_168, %dma_start3A_172] : memref<4x128xi32, #tpu.memory_space<vmem>> -> memref<1x128xi32, #tpu.memory_space<vmem>>
      %dma_start3A_174 = tpu.memref_squeeze %dma_start3A_173 : memref<1x128xi32, #tpu.memory_space<vmem>> -> memref<128xi32, #tpu.memory_space<vmem>>
      %dma_start3A_175 = tpu.memref_slice %arg4[%mul3A_107] : memref<16001024xf32, #tpu.memory_space<hbm>> -> memref<1000000xf32, #tpu.memory_space<hbm>>
      %dma_start3A_176 = arith.constant 0 : i32
      %dma_start3A_177 = tpu.memref_slice %dma_start3A_175[%dma_start3A_176] : memref<1000000xf32, #tpu.memory_space<hbm>> -> memref<1000000xf32, #tpu.memory_space<hbm>>
      tpu.enqueue_indirect_dma source(%dma_start3A_177 : memref<1000000xf32, #tpu.memory_space<hbm>>) target(%dma_start3A_171 : memref<128xf32, #tpu.memory_space<vmem>>) offsets(%dma_start3A_174 : memref<128xi32, #tpu.memory_space<vmem>>) semaphore(%arg24 : memref<!tpu.dma_semaphore, #tpu.memory_space<semaphore_mem>>)
      %dma_start3A_178 = arith.constant 3 : i32
      %dma_start3A_179 = arith.constant 384 : i32
      %dma_start3A_180 = tpu.memref_slice %arg19[%scan3A_105, %dma_start3A_179] : memref<16x512xf32, #tpu.memory_space<vmem>> -> memref<1x128xf32, #tpu.memory_space<vmem>>
      %dma_start3A_181 = tpu.memref_squeeze %dma_start3A_180 : memref<1x128xf32, #tpu.memory_space<vmem>> -> memref<128xf32, #tpu.memory_space<vmem>>
      %dma_start3A_182 = arith.constant 0 : i32
      %dma_start3A_183 = tpu.memref_slice %arg17[%dma_start3A_178, %dma_start3A_182] : memref<4x128xi32, #tpu.memory_space<vmem>> -> memref<1x128xi32, #tpu.memory_space<vmem>>
      %dma_start3A_184 = tpu.memref_squeeze %dma_start3A_183 : memref<1x128xi32, #tpu.memory_space<vmem>> -> memref<128xi32, #tpu.memory_space<vmem>>
      %dma_start3A_185 = tpu.memref_slice %arg5[%mul3A_107] : memref<16001024xf32, #tpu.memory_space<hbm>> -> memref<1000000xf32, #tpu.memory_space<hbm>>
      %dma_start3A_186 = arith.constant 0 : i32
      %dma_start3A_187 = tpu.memref_slice %dma_start3A_185[%dma_start3A_186] : memref<1000000xf32, #tpu.memory_space<hbm>> -> memref<1000000xf32, #tpu.memory_space<hbm>>
      tpu.enqueue_indirect_dma source(%dma_start3A_187 : memref<1000000xf32, #tpu.memory_space<hbm>>) target(%dma_start3A_181 : memref<128xf32, #tpu.memory_space<vmem>>) offsets(%dma_start3A_184 : memref<128xi32, #tpu.memory_space<vmem>>) semaphore(%arg24 : memref<!tpu.dma_semaphore, #tpu.memory_space<semaphore_mem>>)
    }
    %scan3A_9 = arith.constant 16 : i32
    %scan3A_10 = arith.constant 0 : i32
    %scan3A_11 = arith.constant 0 : i32
    %scan3A_12 = arith.constant 32 : i32
    %scan3A_13 = arith.addi %scan3A_11, %scan3A_12 : i32
    %scan3A_14 = arith.constant 1 : i32
    scf.for %scan3A_105 = %scan3A_11 to %scan3A_13 step %scan3A_14  : i32 {
      %mul3A_106 = arith.constant 1000064 : i32
      %mul3A_107 = arith.muli %scan3A_105, %mul3A_106 : i32
      %dma_start3A_108 = arith.constant 0 : i32
      %dma_start3A_109 = arith.constant 0 : i32
      %dma_start3A_110 = tpu.memref_slice %arg22[%scan3A_105, %dma_start3A_109] : memref<32x512xf32, #tpu.memory_space<vmem>> -> memref<1x128xf32, #tpu.memory_space<vmem>>
      %dma_start3A_111 = tpu.memref_squeeze %dma_start3A_110 : memref<1x128xf32, #tpu.memory_space<vmem>> -> memref<128xf32, #tpu.memory_space<vmem>>
      %dma_start3A_112 = arith.constant 0 : i32
      %dma_start3A_113 = tpu.memref_slice %arg16[%dma_start3A_108, %dma_start3A_112] : memref<4x128xi32, #tpu.memory_space<vmem>> -> memref<1x128xi32, #tpu.memory_space<vmem>>
      %dma_start3A_114 = tpu.memref_squeeze %dma_start3A_113 : memref<1x128xi32, #tpu.memory_space<vmem>> -> memref<128xi32, #tpu.memory_space<vmem>>
      %dma_start3A_115 = tpu.memref_slice %arg8[%mul3A_107] : memref<32002048xf32, #tpu.memory_space<hbm>> -> memref<1000000xf32, #tpu.memory_space<hbm>>
      %dma_start3A_116 = arith.constant 0 : i32
      %dma_start3A_117 = tpu.memref_slice %dma_start3A_115[%dma_start3A_116] : memref<1000000xf32, #tpu.memory_space<hbm>> -> memref<1000000xf32, #tpu.memory_space<hbm>>
      tpu.enqueue_indirect_dma source(%dma_start3A_117 : memref<1000000xf32, #tpu.memory_space<hbm>>) target(%dma_start3A_111 : memref<128xf32, #tpu.memory_space<vmem>>) offsets(%dma_start3A_114 : memref<128xi32, #tpu.memory_space<vmem>>) semaphore(%arg24 : memref<!tpu.dma_semaphore, #tpu.memory_space<semaphore_mem>>)
      %dma_start3A_118 = arith.constant 0 : i32
      %dma_start3A_119 = arith.constant 0 : i32
      %dma_start3A_120 = tpu.memref_slice %arg23[%scan3A_105, %dma_start3A_119] : memref<32x512xf32, #tpu.memory_space<vmem>> -> memref<1x128xf32, #tpu.memory_space<vmem>>
      %dma_start3A_121 = tpu.memref_squeeze %dma_start3A_120 : memref<1x128xf32, #tpu.memory_space<vmem>> -> memref<128xf32, #tpu.memory_space<vmem>>
      %dma_start3A_122 = arith.constant 0 : i32
      %dma_start3A_123 = tpu.memref_slice %arg17[%dma_start3A_118, %dma_start3A_122] : memref<4x128xi32, #tpu.memory_space<vmem>> -> memref<1x128xi32, #tpu.memory_space<vmem>>
      %dma_start3A_124 = tpu.memref_squeeze %dma_start3A_123 : memref<1x128xi32, #tpu.memory_space<vmem>> -> memref<128xi32, #tpu.memory_space<vmem>>
      %dma_start3A_125 = tpu.memref_slice %arg9[%mul3A_107] : memref<32002048xf32, #tpu.memory_space<hbm>> -> memref<1000000xf32, #tpu.memory_space<hbm>>
      %dma_start3A_126 = arith.constant 0 : i32
      %dma_start3A_127 = tpu.memref_slice %dma_start3A_125[%dma_start3A_126] : memref<1000000xf32, #tpu.memory_space<hbm>> -> memref<1000000xf32, #tpu.memory_space<hbm>>
      tpu.enqueue_indirect_dma source(%dma_start3A_127 : memref<1000000xf32, #tpu.memory_space<hbm>>) target(%dma_start3A_121 : memref<128xf32, #tpu.memory_space<vmem>>) offsets(%dma_start3A_124 : memref<128xi32, #tpu.memory_space<vmem>>) semaphore(%arg24 : memref<!tpu.dma_semaphore, #tpu.memory_space<semaphore_mem>>)
      %dma_start3A_128 = arith.constant 1 : i32
      %dma_start3A_129 = arith.constant 128 : i32
      %dma_start3A_130 = tpu.memref_slice %arg22[%scan3A_105, %dma_start3A_129] : memref<32x512xf32, #tpu.memory_space<vmem>> -> memref<1x128xf32, #tpu.memory_space<vmem>>
      %dma_start3A_131 = tpu.memref_squeeze %dma_start3A_130 : memref<1x128xf32, #tpu.memory_space<vmem>> -> memref<128xf32, #tpu.memory_space<vmem>>
      %dma_start3A_132 = arith.constant 0 : i32
      %dma_start3A_133 = tpu.memref_slice %arg16[%dma_start3A_128, %dma_start3A_132] : memref<4x128xi32, #tpu.memory_space<vmem>> -> memref<1x128xi32, #tpu.memory_space<vmem>>
      %dma_start3A_134 = tpu.memref_squeeze %dma_start3A_133 : memref<1x128xi32, #tpu.memory_space<vmem>> -> memref<128xi32, #tpu.memory_space<vmem>>
      %dma_start3A_135 = tpu.memref_slice %arg8[%mul3A_107] : memref<32002048xf32, #tpu.memory_space<hbm>> -> memref<1000000xf32, #tpu.memory_space<hbm>>
      %dma_start3A_136 = arith.constant 0 : i32
      %dma_start3A_137 = tpu.memref_slice %dma_start3A_135[%dma_start3A_136] : memref<1000000xf32, #tpu.memory_space<hbm>> -> memref<1000000xf32, #tpu.memory_space<hbm>>
      tpu.enqueue_indirect_dma source(%dma_start3A_137 : memref<1000000xf32, #tpu.memory_space<hbm>>) target(%dma_start3A_131 : memref<128xf32, #tpu.memory_space<vmem>>) offsets(%dma_start3A_134 : memref<128xi32, #tpu.memory_space<vmem>>) semaphore(%arg24 : memref<!tpu.dma_semaphore, #tpu.memory_space<semaphore_mem>>)
      %dma_start3A_138 = arith.constant 1 : i32
      %dma_start3A_139 = arith.constant 128 : i32
      %dma_start3A_140 = tpu.memref_slice %arg23[%scan3A_105, %dma_start3A_139] : memref<32x512xf32, #tpu.memory_space<vmem>> -> memref<1x128xf32, #tpu.memory_space<vmem>>
      %dma_start3A_141 = tpu.memref_squeeze %dma_start3A_140 : memref<1x128xf32, #tpu.memory_space<vmem>> -> memref<128xf32, #tpu.memory_space<vmem>>
      %dma_start3A_142 = arith.constant 0 : i32
      %dma_start3A_143 = tpu.memref_slice %arg17[%dma_start3A_138, %dma_start3A_142] : memref<4x128xi32, #tpu.memory_space<vmem>> -> memref<1x128xi32, #tpu.memory_space<vmem>>
      %dma_start3A_144 = tpu.memref_squeeze %dma_start3A_143 : memref<1x128xi32, #tpu.memory_space<vmem>> -> memref<128xi32, #tpu.memory_space<vmem>>
      %dma_start3A_145 = tpu.memref_slice %arg9[%mul3A_107] : memref<32002048xf32, #tpu.memory_space<hbm>> -> memref<1000000xf32, #tpu.memory_space<hbm>>
      %dma_start3A_146 = arith.constant 0 : i32
      %dma_start3A_147 = tpu.memref_slice %dma_start3A_145[%dma_start3A_146] : memref<1000000xf32, #tpu.memory_space<hbm>> -> memref<1000000xf32, #tpu.memory_space<hbm>>
      tpu.enqueue_indirect_dma source(%dma_start3A_147 : memref<1000000xf32, #tpu.memory_space<hbm>>) target(%dma_start3A_141 : memref<128xf32, #tpu.memory_space<vmem>>) offsets(%dma_start3A_144 : memref<128xi32, #tpu.memory_space<vmem>>) semaphore(%arg24 : memref<!tpu.dma_semaphore, #tpu.memory_space<semaphore_mem>>)
      %dma_start3A_148 = arith.constant 2 : i32
      %dma_start3A_149 = arith.constant 256 : i32
      %dma_start3A_150 = tpu.memref_slice %arg22[%scan3A_105, %dma_start3A_149] : memref<32x512xf32, #tpu.memory_space<vmem>> -> memref<1x128xf32, #tpu.memory_space<vmem>>
      %dma_start3A_151 = tpu.memref_squeeze %dma_start3A_150 : memref<1x128xf32, #tpu.memory_space<vmem>> -> memref<128xf32, #tpu.memory_space<vmem>>
      %dma_start3A_152 = arith.constant 0 : i32
      %dma_start3A_153 = tpu.memref_slice %arg16[%dma_start3A_148, %dma_start3A_152] : memref<4x128xi32, #tpu.memory_space<vmem>> -> memref<1x128xi32, #tpu.memory_space<vmem>>
      %dma_start3A_154 = tpu.memref_squeeze %dma_start3A_153 : memref<1x128xi32, #tpu.memory_space<vmem>> -> memref<128xi32, #tpu.memory_space<vmem>>
      %dma_start3A_155 = tpu.memref_slice %arg8[%mul3A_107] : memref<32002048xf32, #tpu.memory_space<hbm>> -> memref<1000000xf32, #tpu.memory_space<hbm>>
      %dma_start3A_156 = arith.constant 0 : i32
      %dma_start3A_157 = tpu.memref_slice %dma_start3A_155[%dma_start3A_156] : memref<1000000xf32, #tpu.memory_space<hbm>> -> memref<1000000xf32, #tpu.memory_space<hbm>>
      tpu.enqueue_indirect_dma source(%dma_start3A_157 : memref<1000000xf32, #tpu.memory_space<hbm>>) target(%dma_start3A_151 : memref<128xf32, #tpu.memory_space<vmem>>) offsets(%dma_start3A_154 : memref<128xi32, #tpu.memory_space<vmem>>) semaphore(%arg24 : memref<!tpu.dma_semaphore, #tpu.memory_space<semaphore_mem>>)
      %dma_start3A_158 = arith.constant 2 : i32
      %dma_start3A_159 = arith.constant 256 : i32
      %dma_start3A_160 = tpu.memref_slice %arg23[%scan3A_105, %dma_start3A_159] : memref<32x512xf32, #tpu.memory_space<vmem>> -> memref<1x128xf32, #tpu.memory_space<vmem>>
      %dma_start3A_161 = tpu.memref_squeeze %dma_start3A_160 : memref<1x128xf32, #tpu.memory_space<vmem>> -> memref<128xf32, #tpu.memory_space<vmem>>
      %dma_start3A_162 = arith.constant 0 : i32
      %dma_start3A_163 = tpu.memref_slice %arg17[%dma_start3A_158, %dma_start3A_162] : memref<4x128xi32, #tpu.memory_space<vmem>> -> memref<1x128xi32, #tpu.memory_space<vmem>>
      %dma_start3A_164 = tpu.memref_squeeze %dma_start3A_163 : memref<1x128xi32, #tpu.memory_space<vmem>> -> memref<128xi32, #tpu.memory_space<vmem>>
      %dma_start3A_165 = tpu.memref_slice %arg9[%mul3A_107] : memref<32002048xf32, #tpu.memory_space<hbm>> -> memref<1000000xf32, #tpu.memory_space<hbm>>
      %dma_start3A_166 = arith.constant 0 : i32
      %dma_start3A_167 = tpu.memref_slice %dma_start3A_165[%dma_start3A_166] : memref<1000000xf32, #tpu.memory_space<hbm>> -> memref<1000000xf32, #tpu.memory_space<hbm>>
      tpu.enqueue_indirect_dma source(%dma_start3A_167 : memref<1000000xf32, #tpu.memory_space<hbm>>) target(%dma_start3A_161 : memref<128xf32, #tpu.memory_space<vmem>>) offsets(%dma_start3A_164 : memref<128xi32, #tpu.memory_space<vmem>>) semaphore(%arg24 : memref<!tpu.dma_semaphore, #tpu.memory_space<semaphore_mem>>)
      %dma_start3A_168 = arith.constant 3 : i32
      %dma_start3A_169 = arith.constant 384 : i32
      %dma_start3A_170 = tpu.memref_slice %arg22[%scan3A_105, %dma_start3A_169] : memref<32x512xf32, #tpu.memory_space<vmem>> -> memref<1x128xf32, #tpu.memory_space<vmem>>
      %dma_start3A_171 = tpu.memref_squeeze %dma_start3A_170 : memref<1x128xf32, #tpu.memory_space<vmem>> -> memref<128xf32, #tpu.memory_space<vmem>>
      %dma_start3A_172 = arith.constant 0 : i32
      %dma_start3A_173 = tpu.memref_slice %arg16[%dma_start3A_168, %dma_start3A_172] : memref<4x128xi32, #tpu.memory_space<vmem>> -> memref<1x128xi32, #tpu.memory_space<vmem>>
      %dma_start3A_174 = tpu.memref_squeeze %dma_start3A_173 : memref<1x128xi32, #tpu.memory_space<vmem>> -> memref<128xi32, #tpu.memory_space<vmem>>
      %dma_start3A_175 = tpu.memref_slice %arg8[%mul3A_107] : memref<32002048xf32, #tpu.memory_space<hbm>> -> memref<1000000xf32, #tpu.memory_space<hbm>>
      %dma_start3A_176 = arith.constant 0 : i32
      %dma_start3A_177 = tpu.memref_slice %dma_start3A_175[%dma_start3A_176] : memref<1000000xf32, #tpu.memory_space<hbm>> -> memref<1000000xf32, #tpu.memory_space<hbm>>
      tpu.enqueue_indirect_dma source(%dma_start3A_177 : memref<1000000xf32, #tpu.memory_space<hbm>>) target(%dma_start3A_171 : memref<128xf32, #tpu.memory_space<vmem>>) offsets(%dma_start3A_174 : memref<128xi32, #tpu.memory_space<vmem>>) semaphore(%arg24 : memref<!tpu.dma_semaphore, #tpu.memory_space<semaphore_mem>>)
      %dma_start3A_178 = arith.constant 3 : i32
      %dma_start3A_179 = arith.constant 384 : i32
      %dma_start3A_180 = tpu.memref_slice %arg23[%scan3A_105, %dma_start3A_179] : memref<32x512xf32, #tpu.memory_space<vmem>> -> memref<1x128xf32, #tpu.memory_space<vmem>>
      %dma_start3A_181 = tpu.memref_squeeze %dma_start3A_180 : memref<1x128xf32, #tpu.memory_space<vmem>> -> memref<128xf32, #tpu.memory_space<vmem>>
      %dma_start3A_182 = arith.constant 0 : i32
      %dma_start3A_183 = tpu.memref_slice %arg17[%dma_start3A_178, %dma_start3A_182] : memref<4x128xi32, #tpu.memory_space<vmem>> -> memref<1x128xi32, #tpu.memory_space<vmem>>
      %dma_start3A_184 = tpu.memref_squeeze %dma_start3A_183 : memref<1x128xi32, #tpu.memory_space<vmem>> -> memref<128xi32, #tpu.memory_space<vmem>>
      %dma_start3A_185 = tpu.memref_slice %arg9[%mul3A_107] : memref<32002048xf32, #tpu.memory_space<hbm>> -> memref<1000000xf32, #tpu.memory_space<hbm>>
      %dma_start3A_186 = arith.constant 0 : i32
      %dma_start3A_187 = tpu.memref_slice %dma_start3A_185[%dma_start3A_186] : memref<1000000xf32, #tpu.memory_space<hbm>> -> memref<1000000xf32, #tpu.memory_space<hbm>>
      tpu.enqueue_indirect_dma source(%dma_start3A_187 : memref<1000000xf32, #tpu.memory_space<hbm>>) target(%dma_start3A_181 : memref<128xf32, #tpu.memory_space<vmem>>) offsets(%dma_start3A_184 : memref<128xi32, #tpu.memory_space<vmem>>) semaphore(%arg24 : memref<!tpu.dma_semaphore, #tpu.memory_space<semaphore_mem>>)
    }
    %scan3A_15 = arith.constant 32 : i32
    %dma_start3A = arith.constant 0 : i32
    %dma_start3A_16 = arith.constant 0 : i32
    %dma_start3A_17 = tpu.memref_slice %arg20[%dma_start3A_16] : memref<512xf32, #tpu.memory_space<vmem>> -> memref<128xf32, #tpu.memory_space<vmem>>
    %dma_start3A_18 = arith.constant 0 : i32
    %dma_start3A_19 = tpu.memref_slice %arg16[%dma_start3A, %dma_start3A_18] : memref<4x128xi32, #tpu.memory_space<vmem>> -> memref<1x128xi32, #tpu.memory_space<vmem>>
    %dma_start3A_20 = tpu.memref_squeeze %dma_start3A_19 : memref<1x128xi32, #tpu.memory_space<vmem>> -> memref<128xi32, #tpu.memory_space<vmem>>
    %dma_start3A_21 = arith.constant 0 : i32
    %dma_start3A_22 = tpu.memref_slice %arg6[%dma_start3A_21] : memref<1000000xf32, #tpu.memory_space<hbm>> -> memref<1000000xf32, #tpu.memory_space<hbm>>
    tpu.enqueue_indirect_dma source(%dma_start3A_22 : memref<1000000xf32, #tpu.memory_space<hbm>>) target(%dma_start3A_17 : memref<128xf32, #tpu.memory_space<vmem>>) offsets(%dma_start3A_20 : memref<128xi32, #tpu.memory_space<vmem>>) semaphore(%arg24 : memref<!tpu.dma_semaphore, #tpu.memory_space<semaphore_mem>>)
    %dma_start3A_23 = arith.constant 0 : i32
    %dma_start3A_24 = arith.constant 0 : i32
    %dma_start3A_25 = tpu.memref_slice %arg21[%dma_start3A_24] : memref<512xf32, #tpu.memory_space<vmem>> -> memref<128xf32, #tpu.memory_space<vmem>>
    %dma_start3A_26 = arith.constant 0 : i32
    %dma_start3A_27 = tpu.memref_slice %arg17[%dma_start3A_23, %dma_start3A_26] : memref<4x128xi32, #tpu.memory_space<vmem>> -> memref<1x128xi32, #tpu.memory_space<vmem>>
    %dma_start3A_28 = tpu.memref_squeeze %dma_start3A_27 : memref<1x128xi32, #tpu.memory_space<vmem>> -> memref<128xi32, #tpu.memory_space<vmem>>
    %dma_start3A_29 = arith.constant 0 : i32
    %dma_start3A_30 = tpu.memref_slice %arg7[%dma_start3A_29] : memref<1000000xf32, #tpu.memory_space<hbm>> -> memref<1000000xf32, #tpu.memory_space<hbm>>
    tpu.enqueue_indirect_dma source(%dma_start3A_30 : memref<1000000xf32, #tpu.memory_space<hbm>>) target(%dma_start3A_25 : memref<128xf32, #tpu.memory_space<vmem>>) offsets(%dma_start3A_28 : memref<128xi32, #tpu.memory_space<vmem>>) semaphore(%arg24 : memref<!tpu.dma_semaphore, #tpu.memory_space<semaphore_mem>>)
    %dma_start3A_31 = arith.constant 1 : i32
    %dma_start3A_32 = arith.constant 128 : i32
    %dma_start3A_33 = tpu.memref_slice %arg20[%dma_start3A_32] : memref<512xf32, #tpu.memory_space<vmem>> -> memref<128xf32, #tpu.memory_space<vmem>>
    %dma_start3A_34 = arith.constant 0 : i32
    %dma_start3A_35 = tpu.memref_slice %arg16[%dma_start3A_31, %dma_start3A_34] : memref<4x128xi32, #tpu.memory_space<vmem>> -> memref<1x128xi32, #tpu.memory_space<vmem>>
    %dma_start3A_36 = tpu.memref_squeeze %dma_start3A_35 : memref<1x128xi32, #tpu.memory_space<vmem>> -> memref<128xi32, #tpu.memory_space<vmem>>
    %dma_start3A_37 = arith.constant 0 : i32
    %dma_start3A_38 = tpu.memref_slice %arg6[%dma_start3A_37] : memref<1000000xf32, #tpu.memory_space<hbm>> -> memref<1000000xf32, #tpu.memory_space<hbm>>
    tpu.enqueue_indirect_dma source(%dma_start3A_38 : memref<1000000xf32, #tpu.memory_space<hbm>>) target(%dma_start3A_33 : memref<128xf32, #tpu.memory_space<vmem>>) offsets(%dma_start3A_36 : memref<128xi32, #tpu.memory_space<vmem>>) semaphore(%arg24 : memref<!tpu.dma_semaphore, #tpu.memory_space<semaphore_mem>>)
    %dma_start3A_39 = arith.constant 1 : i32
    %dma_start3A_40 = arith.constant 128 : i32
    %dma_start3A_41 = tpu.memref_slice %arg21[%dma_start3A_40] : memref<512xf32, #tpu.memory_space<vmem>> -> memref<128xf32, #tpu.memory_space<vmem>>
    %dma_start3A_42 = arith.constant 0 : i32
    %dma_start3A_43 = tpu.memref_slice %arg17[%dma_start3A_39, %dma_start3A_42] : memref<4x128xi32, #tpu.memory_space<vmem>> -> memref<1x128xi32, #tpu.memory_space<vmem>>
    %dma_start3A_44 = tpu.memref_squeeze %dma_start3A_43 : memref<1x128xi32, #tpu.memory_space<vmem>> -> memref<128xi32, #tpu.memory_space<vmem>>
    %dma_start3A_45 = arith.constant 0 : i32
    %dma_start3A_46 = tpu.memref_slice %arg7[%dma_start3A_45] : memref<1000000xf32, #tpu.memory_space<hbm>> -> memref<1000000xf32, #tpu.memory_space<hbm>>
    tpu.enqueue_indirect_dma source(%dma_start3A_46 : memref<1000000xf32, #tpu.memory_space<hbm>>) target(%dma_start3A_41 : memref<128xf32, #tpu.memory_space<vmem>>) offsets(%dma_start3A_44 : memref<128xi32, #tpu.memory_space<vmem>>) semaphore(%arg24 : memref<!tpu.dma_semaphore, #tpu.memory_space<semaphore_mem>>)
    %dma_start3A_47 = arith.constant 2 : i32
    %dma_start3A_48 = arith.constant 256 : i32
    %dma_start3A_49 = tpu.memref_slice %arg20[%dma_start3A_48] : memref<512xf32, #tpu.memory_space<vmem>> -> memref<128xf32, #tpu.memory_space<vmem>>
    %dma_start3A_50 = arith.constant 0 : i32
    %dma_start3A_51 = tpu.memref_slice %arg16[%dma_start3A_47, %dma_start3A_50] : memref<4x128xi32, #tpu.memory_space<vmem>> -> memref<1x128xi32, #tpu.memory_space<vmem>>
    %dma_start3A_52 = tpu.memref_squeeze %dma_start3A_51 : memref<1x128xi32, #tpu.memory_space<vmem>> -> memref<128xi32, #tpu.memory_space<vmem>>
    %dma_start3A_53 = arith.constant 0 : i32
    %dma_start3A_54 = tpu.memref_slice %arg6[%dma_start3A_53] : memref<1000000xf32, #tpu.memory_space<hbm>> -> memref<1000000xf32, #tpu.memory_space<hbm>>
    tpu.enqueue_indirect_dma source(%dma_start3A_54 : memref<1000000xf32, #tpu.memory_space<hbm>>) target(%dma_start3A_49 : memref<128xf32, #tpu.memory_space<vmem>>) offsets(%dma_start3A_52 : memref<128xi32, #tpu.memory_space<vmem>>) semaphore(%arg24 : memref<!tpu.dma_semaphore, #tpu.memory_space<semaphore_mem>>)
    %dma_start3A_55 = arith.constant 2 : i32
    %dma_start3A_56 = arith.constant 256 : i32
    %dma_start3A_57 = tpu.memref_slice %arg21[%dma_start3A_56] : memref<512xf32, #tpu.memory_space<vmem>> -> memref<128xf32, #tpu.memory_space<vmem>>
    %dma_start3A_58 = arith.constant 0 : i32
    %dma_start3A_59 = tpu.memref_slice %arg17[%dma_start3A_55, %dma_start3A_58] : memref<4x128xi32, #tpu.memory_space<vmem>> -> memref<1x128xi32, #tpu.memory_space<vmem>>
    %dma_start3A_60 = tpu.memref_squeeze %dma_start3A_59 : memref<1x128xi32, #tpu.memory_space<vmem>> -> memref<128xi32, #tpu.memory_space<vmem>>
    %dma_start3A_61 = arith.constant 0 : i32
    %dma_start3A_62 = tpu.memref_slice %arg7[%dma_start3A_61] : memref<1000000xf32, #tpu.memory_space<hbm>> -> memref<1000000xf32, #tpu.memory_space<hbm>>
    tpu.enqueue_indirect_dma source(%dma_start3A_62 : memref<1000000xf32, #tpu.memory_space<hbm>>) target(%dma_start3A_57 : memref<128xf32, #tpu.memory_space<vmem>>) offsets(%dma_start3A_60 : memref<128xi32, #tpu.memory_space<vmem>>) semaphore(%arg24 : memref<!tpu.dma_semaphore, #tpu.memory_space<semaphore_mem>>)
    %dma_start3A_63 = arith.constant 3 : i32
    %dma_start3A_64 = arith.constant 384 : i32
    %dma_start3A_65 = tpu.memref_slice %arg20[%dma_start3A_64] : memref<512xf32, #tpu.memory_space<vmem>> -> memref<128xf32, #tpu.memory_space<vmem>>
    %dma_start3A_66 = arith.constant 0 : i32
    %dma_start3A_67 = tpu.memref_slice %arg16[%dma_start3A_63, %dma_start3A_66] : memref<4x128xi32, #tpu.memory_space<vmem>> -> memref<1x128xi32, #tpu.memory_space<vmem>>
    %dma_start3A_68 = tpu.memref_squeeze %dma_start3A_67 : memref<1x128xi32, #tpu.memory_space<vmem>> -> memref<128xi32, #tpu.memory_space<vmem>>
    %dma_start3A_69 = arith.constant 0 : i32
    %dma_start3A_70 = tpu.memref_slice %arg6[%dma_start3A_69] : memref<1000000xf32, #tpu.memory_space<hbm>> -> memref<1000000xf32, #tpu.memory_space<hbm>>
    tpu.enqueue_indirect_dma source(%dma_start3A_70 : memref<1000000xf32, #tpu.memory_space<hbm>>) target(%dma_start3A_65 : memref<128xf32, #tpu.memory_space<vmem>>) offsets(%dma_start3A_68 : memref<128xi32, #tpu.memory_space<vmem>>) semaphore(%arg24 : memref<!tpu.dma_semaphore, #tpu.memory_space<semaphore_mem>>)
    %dma_start3A_71 = arith.constant 3 : i32
    %dma_start3A_72 = arith.constant 384 : i32
    %dma_start3A_73 = tpu.memref_slice %arg21[%dma_start3A_72] : memref<512xf32, #tpu.memory_space<vmem>> -> memref<128xf32, #tpu.memory_space<vmem>>
    %dma_start3A_74 = arith.constant 0 : i32
    %dma_start3A_75 = tpu.memref_slice %arg17[%dma_start3A_71, %dma_start3A_74] : memref<4x128xi32, #tpu.memory_space<vmem>> -> memref<1x128xi32, #tpu.memory_space<vmem>>
    %dma_start3A_76 = tpu.memref_squeeze %dma_start3A_75 : memref<1x128xi32, #tpu.memory_space<vmem>> -> memref<128xi32, #tpu.memory_space<vmem>>
    %dma_start3A_77 = arith.constant 0 : i32
    %dma_start3A_78 = tpu.memref_slice %arg7[%dma_start3A_77] : memref<1000000xf32, #tpu.memory_space<hbm>> -> memref<1000000xf32, #tpu.memory_space<hbm>>
    tpu.enqueue_indirect_dma source(%dma_start3A_78 : memref<1000000xf32, #tpu.memory_space<hbm>>) target(%dma_start3A_73 : memref<128xf32, #tpu.memory_space<vmem>>) offsets(%dma_start3A_76 : memref<128xi32, #tpu.memory_space<vmem>>) semaphore(%arg24 : memref<!tpu.dma_semaphore, #tpu.memory_space<semaphore_mem>>)
    %dma_wait3A = arith.constant 0 : i32
    %dma_wait3A_79 = tpu.memref_slice %arg10[%dma_wait3A, %mul3A_4] : memref<16x16384xf32, #tpu.memory_space<hbm>> -> memref<16x512xf32, #tpu.memory_space<hbm>>
    %dma_wait3A_80 = arith.constant 0 : i32
    %dma_wait3A_81 = tpu.memref_slice %arg10[%dma_wait3A_80, %mul3A_4] : memref<16x16384xf32, #tpu.memory_space<hbm>> -> memref<16x512xf32, #tpu.memory_space<hbm>>
    tpu.wait_dma2 semaphore(%arg24 : memref<!tpu.dma_semaphore, #tpu.memory_space<semaphore_mem>>) src(%dma_wait3A_81 : memref<16x512xf32, #tpu.memory_space<hbm>>) dst(%arg18 : memref<16x512xf32, #tpu.memory_space<vmem>>)
    %dma_wait3A_82 = arith.constant 0 : i32
    %dma_wait3A_83 = tpu.memref_slice %arg11[%dma_wait3A_82, %mul3A_4] : memref<16x16384xf32, #tpu.memory_space<hbm>> -> memref<16x512xf32, #tpu.memory_space<hbm>>
    %dma_wait3A_84 = arith.constant 0 : i32
    %dma_wait3A_85 = tpu.memref_slice %arg11[%dma_wait3A_84, %mul3A_4] : memref<16x16384xf32, #tpu.memory_space<hbm>> -> memref<16x512xf32, #tpu.memory_space<hbm>>
    tpu.wait_dma2 semaphore(%arg24 : memref<!tpu.dma_semaphore, #tpu.memory_space<semaphore_mem>>) src(%dma_wait3A_85 : memref<16x512xf32, #tpu.memory_space<hbm>>) dst(%arg19 : memref<16x512xf32, #tpu.memory_space<vmem>>)
    %dma_wait3A_86 = arith.constant 0 : i32
    %dma_wait3A_87 = tpu.memref_slice %arg14[%dma_wait3A_86, %mul3A_4] : memref<32x16384xf32, #tpu.memory_space<hbm>> -> memref<32x512xf32, #tpu.memory_space<hbm>>
    %dma_wait3A_88 = arith.constant 0 : i32
    %dma_wait3A_89 = tpu.memref_slice %arg14[%dma_wait3A_88, %mul3A_4] : memref<32x16384xf32, #tpu.memory_space<hbm>> -> memref<32x512xf32, #tpu.memory_space<hbm>>
    tpu.wait_dma2 semaphore(%arg24 : memref<!tpu.dma_semaphore, #tpu.memory_space<semaphore_mem>>) src(%dma_wait3A_89 : memref<32x512xf32, #tpu.memory_space<hbm>>) dst(%arg22 : memref<32x512xf32, #tpu.memory_space<vmem>>)
    %dma_wait3A_90 = arith.constant 0 : i32
    %dma_wait3A_91 = tpu.memref_slice %arg15[%dma_wait3A_90, %mul3A_4] : memref<32x16384xf32, #tpu.memory_space<hbm>> -> memref<32x512xf32, #tpu.memory_space<hbm>>
    %dma_wait3A_92 = arith.constant 0 : i32
    %dma_wait3A_93 = tpu.memref_slice %arg15[%dma_wait3A_92, %mul3A_4] : memref<32x16384xf32, #tpu.memory_space<hbm>> -> memref<32x512xf32, #tpu.memory_space<hbm>>
    tpu.wait_dma2 semaphore(%arg24 : memref<!tpu.dma_semaphore, #tpu.memory_space<semaphore_mem>>) src(%dma_wait3A_93 : memref<32x512xf32, #tpu.memory_space<hbm>>) dst(%arg23 : memref<32x512xf32, #tpu.memory_space<vmem>>)
    %dma_wait3A_94 = arith.constant 0 : i32
    %dma_wait3A_95 = tpu.memref_slice %arg12[%dma_wait3A_94, %mul3A_4] : memref<1x16384xf32, #tpu.memory_space<hbm>> -> memref<1x512xf32, #tpu.memory_space<hbm>>
    %dma_wait3A_96 = tpu.memref_squeeze %dma_wait3A_95 : memref<1x512xf32, #tpu.memory_space<hbm>> -> memref<512xf32, #tpu.memory_space<hbm>>
    %dma_wait3A_97 = tpu.memref_slice %arg12[%dma_wait3A_94, %mul3A_4] : memref<1x16384xf32, #tpu.memory_space<hbm>> -> memref<1x512xf32, #tpu.memory_space<hbm>>
    %dma_wait3A_98 = tpu.memref_squeeze %dma_wait3A_97 : memref<1x512xf32, #tpu.memory_space<hbm>> -> memref<512xf32, #tpu.memory_space<hbm>>
    tpu.wait_dma2 semaphore(%arg24 : memref<!tpu.dma_semaphore, #tpu.memory_space<semaphore_mem>>) src(%dma_wait3A_98 : memref<512xf32, #tpu.memory_space<hbm>>) dst(%arg20 : memref<512xf32, #tpu.memory_space<vmem>>)
    %dma_wait3A_99 = arith.constant 0 : i32
    %dma_wait3A_100 = tpu.memref_slice %arg13[%dma_wait3A_99, %mul3A_4] : memref<1x16384xf32, #tpu.memory_space<hbm>> -> memref<1x512xf32, #tpu.memory_space<hbm>>
    %dma_wait3A_101 = tpu.memref_squeeze %dma_wait3A_100 : memref<1x512xf32, #tpu.memory_space<hbm>> -> memref<512xf32, #tpu.memory_space<hbm>>
    %dma_wait3A_102 = tpu.memref_slice %arg13[%dma_wait3A_99, %mul3A_4] : memref<1x16384xf32, #tpu.memory_space<hbm>> -> memref<1x512xf32, #tpu.memory_space<hbm>>
    %dma_wait3A_103 = tpu.memref_squeeze %dma_wait3A_102 : memref<1x512xf32, #tpu.memory_space<hbm>> -> memref<512xf32, #tpu.memory_space<hbm>>
    tpu.wait_dma2 semaphore(%arg24 : memref<!tpu.dma_semaphore, #tpu.memory_space<semaphore_mem>>) src(%dma_wait3A_103 : memref<512xf32, #tpu.memory_space<hbm>>) dst(%arg21 : memref<512xf32, #tpu.memory_space<vmem>>)
    "tpu.region"() ({
      %run_scoped3A_105 = tpu.sem_alloc : memref<!tpu.dma_semaphore, #tpu.memory_space<semaphore_mem>>
      %dma_start3A_106 = arith.constant 0 : i32
      %dma_start3A_107 = tpu.memref_slice %arg10[%dma_start3A_106, %mul3A_4] : memref<16x16384xf32, #tpu.memory_space<hbm>> -> memref<16x512xf32, #tpu.memory_space<hbm>>
      %dma_start3A_108 = arith.constant 0 : i32
      %dma_start3A_109 = tpu.memref_slice %arg10[%dma_start3A_108, %mul3A_4] : memref<16x16384xf32, #tpu.memory_space<hbm>> -> memref<16x512xf32, #tpu.memory_space<hbm>>
      tpu.enqueue_dma source(%arg18 : memref<16x512xf32, #tpu.memory_space<vmem>>) target(%dma_start3A_109 : memref<16x512xf32, #tpu.memory_space<hbm>>) target_semaphore(%run_scoped3A_105 : memref<!tpu.dma_semaphore, #tpu.memory_space<semaphore_mem>>)
      %dma_wait3A_110 = arith.constant 0 : i32
      %dma_wait3A_111 = tpu.memref_slice %arg10[%dma_wait3A_110, %mul3A_4] : memref<16x16384xf32, #tpu.memory_space<hbm>> -> memref<16x512xf32, #tpu.memory_space<hbm>>
      %dma_wait3A_112 = arith.constant 0 : i32
      %dma_wait3A_113 = tpu.memref_slice %arg10[%dma_wait3A_112, %mul3A_4] : memref<16x16384xf32, #tpu.memory_space<hbm>> -> memref<16x512xf32, #tpu.memory_space<hbm>>
      tpu.wait_dma2 semaphore(%run_scoped3A_105 : memref<!tpu.dma_semaphore, #tpu.memory_space<semaphore_mem>>) src(%arg18 : memref<16x512xf32, #tpu.memory_space<vmem>>) dst(%dma_wait3A_113 : memref<16x512xf32, #tpu.memory_space<hbm>>)
      tpu.yield
    }) : () -> ()
    "tpu.region"() ({
      %run_scoped3A_105 = tpu.sem_alloc : memref<!tpu.dma_semaphore, #tpu.memory_space<semaphore_mem>>
      %dma_start3A_106 = arith.constant 0 : i32
      %dma_start3A_107 = tpu.memref_slice %arg11[%dma_start3A_106, %mul3A_4] : memref<16x16384xf32, #tpu.memory_space<hbm>> -> memref<16x512xf32, #tpu.memory_space<hbm>>
      %dma_start3A_108 = arith.constant 0 : i32
      %dma_start3A_109 = tpu.memref_slice %arg11[%dma_start3A_108, %mul3A_4] : memref<16x16384xf32, #tpu.memory_space<hbm>> -> memref<16x512xf32, #tpu.memory_space<hbm>>
      tpu.enqueue_dma source(%arg19 : memref<16x512xf32, #tpu.memory_space<vmem>>) target(%dma_start3A_109 : memref<16x512xf32, #tpu.memory_space<hbm>>) target_semaphore(%run_scoped3A_105 : memref<!tpu.dma_semaphore, #tpu.memory_space<semaphore_mem>>)
      %dma_wait3A_110 = arith.constant 0 : i32
      %dma_wait3A_111 = tpu.memref_slice %arg11[%dma_wait3A_110, %mul3A_4] : memref<16x16384xf32, #tpu.memory_space<hbm>> -> memref<16x512xf32, #tpu.memory_space<hbm>>
      %dma_wait3A_112 = arith.constant 0 : i32
      %dma_wait3A_113 = tpu.memref_slice %arg11[%dma_wait3A_112, %mul3A_4] : memref<16x16384xf32, #tpu.memory_space<hbm>> -> memref<16x512xf32, #tpu.memory_space<hbm>>
      tpu.wait_dma2 semaphore(%run_scoped3A_105 : memref<!tpu.dma_semaphore, #tpu.memory_space<semaphore_mem>>) src(%arg19 : memref<16x512xf32, #tpu.memory_space<vmem>>) dst(%dma_wait3A_113 : memref<16x512xf32, #tpu.memory_space<hbm>>)
      tpu.yield
    }) : () -> ()
    "tpu.region"() ({
      %run_scoped3A_105 = tpu.sem_alloc : memref<!tpu.dma_semaphore, #tpu.memory_space<semaphore_mem>>
      %dma_start3A_106 = arith.constant 0 : i32
      %dma_start3A_107 = tpu.memref_slice %arg14[%dma_start3A_106, %mul3A_4] : memref<32x16384xf32, #tpu.memory_space<hbm>> -> memref<32x512xf32, #tpu.memory_space<hbm>>
      %dma_start3A_108 = arith.constant 0 : i32
      %dma_start3A_109 = tpu.memref_slice %arg14[%dma_start3A_108, %mul3A_4] : memref<32x16384xf32, #tpu.memory_space<hbm>> -> memref<32x512xf32, #tpu.memory_space<hbm>>
      tpu.enqueue_dma source(%arg22 : memref<32x512xf32, #tpu.memory_space<vmem>>) target(%dma_start3A_109 : memref<32x512xf32, #tpu.memory_space<hbm>>) target_semaphore(%run_scoped3A_105 : memref<!tpu.dma_semaphore, #tpu.memory_space<semaphore_mem>>)
      %dma_wait3A_110 = arith.constant 0 : i32
      %dma_wait3A_111 = tpu.memref_slice %arg14[%dma_wait3A_110, %mul3A_4] : memref<32x16384xf32, #tpu.memory_space<hbm>> -> memref<32x512xf32, #tpu.memory_space<hbm>>
      %dma_wait3A_112 = arith.constant 0 : i32
      %dma_wait3A_113 = tpu.memref_slice %arg14[%dma_wait3A_112, %mul3A_4] : memref<32x16384xf32, #tpu.memory_space<hbm>> -> memref<32x512xf32, #tpu.memory_space<hbm>>
      tpu.wait_dma2 semaphore(%run_scoped3A_105 : memref<!tpu.dma_semaphore, #tpu.memory_space<semaphore_mem>>) src(%arg22 : memref<32x512xf32, #tpu.memory_space<vmem>>) dst(%dma_wait3A_113 : memref<32x512xf32, #tpu.memory_space<hbm>>)
      tpu.yield
    }) : () -> ()
    "tpu.region"() ({
      %run_scoped3A_105 = tpu.sem_alloc : memref<!tpu.dma_semaphore, #tpu.memory_space<semaphore_mem>>
      %dma_start3A_106 = arith.constant 0 : i32
      %dma_start3A_107 = tpu.memref_slice %arg15[%dma_start3A_106, %mul3A_4] : memref<32x16384xf32, #tpu.memory_space<hbm>> -> memref<32x512xf32, #tpu.memory_space<hbm>>
      %dma_start3A_108 = arith.constant 0 : i32
      %dma_start3A_109 = tpu.memref_slice %arg15[%dma_start3A_108, %mul3A_4] : memref<32x16384xf32, #tpu.memory_space<hbm>> -> memref<32x512xf32, #tpu.memory_space<hbm>>
      tpu.enqueue_dma source(%arg23 : memref<32x512xf32, #tpu.memory_space<vmem>>) target(%dma_start3A_109 : memref<32x512xf32, #tpu.memory_space<hbm>>) target_semaphore(%run_scoped3A_105 : memref<!tpu.dma_semaphore, #tpu.memory_space<semaphore_mem>>)
      %dma_wait3A_110 = arith.constant 0 : i32
      %dma_wait3A_111 = tpu.memref_slice %arg15[%dma_wait3A_110, %mul3A_4] : memref<32x16384xf32, #tpu.memory_space<hbm>> -> memref<32x512xf32, #tpu.memory_space<hbm>>
      %dma_wait3A_112 = arith.constant 0 : i32
      %dma_wait3A_113 = tpu.memref_slice %arg15[%dma_wait3A_112, %mul3A_4] : memref<32x16384xf32, #tpu.memory_space<hbm>> -> memref<32x512xf32, #tpu.memory_space<hbm>>
      tpu.wait_dma2 semaphore(%run_scoped3A_105 : memref<!tpu.dma_semaphore, #tpu.memory_space<semaphore_mem>>) src(%arg23 : memref<32x512xf32, #tpu.memory_space<vmem>>) dst(%dma_wait3A_113 : memref<32x512xf32, #tpu.memory_space<hbm>>)
      tpu.yield
    }) : () -> ()
    %run_scoped3A = arith.constant 0 : i32
    "tpu.region"() ({
      %run_scoped3A_105 = tpu.sem_alloc : memref<!tpu.dma_semaphore, #tpu.memory_space<semaphore_mem>>
      %dma_start3A_106 = tpu.memref_slice %arg12[%run_scoped3A, %mul3A_4] : memref<1x16384xf32, #tpu.memory_space<hbm>> -> memref<1x512xf32, #tpu.memory_space<hbm>>
      %dma_start3A_107 = tpu.memref_squeeze %dma_start3A_106 : memref<1x512xf32, #tpu.memory_space<hbm>> -> memref<512xf32, #tpu.memory_space<hbm>>
      %dma_start3A_108 = tpu.memref_slice %arg12[%run_scoped3A, %mul3A_4] : memref<1x16384xf32, #tpu.memory_space<hbm>> -> memref<1x512xf32, #tpu.memory_space<hbm>>
      %dma_start3A_109 = tpu.memref_squeeze %dma_start3A_108 : memref<1x512xf32, #tpu.memory_space<hbm>> -> memref<512xf32, #tpu.memory_space<hbm>>
      tpu.enqueue_dma source(%arg20 : memref<512xf32, #tpu.memory_space<vmem>>) target(%dma_start3A_109 : memref<512xf32, #tpu.memory_space<hbm>>) target_semaphore(%run_scoped3A_105 : memref<!tpu.dma_semaphore, #tpu.memory_space<semaphore_mem>>)
      %dma_wait3A_110 = tpu.memref_slice %arg12[%run_scoped3A, %mul3A_4] : memref<1x16384xf32, #tpu.memory_space<hbm>> -> memref<1x512xf32, #tpu.memory_space<hbm>>
      %dma_wait3A_111 = tpu.memref_squeeze %dma_wait3A_110 : memref<1x512xf32, #tpu.memory_space<hbm>> -> memref<512xf32, #tpu.memory_space<hbm>>
      %dma_wait3A_112 = tpu.memref_slice %arg12[%run_scoped3A, %mul3A_4] : memref<1x16384xf32, #tpu.memory_space<hbm>> -> memref<1x512xf32, #tpu.memory_space<hbm>>
      %dma_wait3A_113 = tpu.memref_squeeze %dma_wait3A_112 : memref<1x512xf32, #tpu.memory_space<hbm>> -> memref<512xf32, #tpu.memory_space<hbm>>
      tpu.wait_dma2 semaphore(%run_scoped3A_105 : memref<!tpu.dma_semaphore, #tpu.memory_space<semaphore_mem>>) src(%arg20 : memref<512xf32, #tpu.memory_space<vmem>>) dst(%dma_wait3A_113 : memref<512xf32, #tpu.memory_space<hbm>>)
      tpu.yield
    }) : () -> ()
    %run_scoped3A_104 = arith.constant 0 : i32
    "tpu.region"() ({
      %run_scoped3A_105 = tpu.sem_alloc : memref<!tpu.dma_semaphore, #tpu.memory_space<semaphore_mem>>
      %dma_start3A_106 = tpu.memref_slice %arg13[%run_scoped3A_104, %mul3A_4] : memref<1x16384xf32, #tpu.memory_space<hbm>> -> memref<1x512xf32, #tpu.memory_space<hbm>>
      %dma_start3A_107 = tpu.memref_squeeze %dma_start3A_106 : memref<1x512xf32, #tpu.memory_space<hbm>> -> memref<512xf32, #tpu.memory_space<hbm>>
      %dma_start3A_108 = tpu.memref_slice %arg13[%run_scoped3A_104, %mul3A_4] : memref<1x16384xf32, #tpu.memory_space<hbm>> -> memref<1x512xf32, #tpu.memory_space<hbm>>
      %dma_start3A_109 = tpu.memref_squeeze %dma_start3A_108 : memref<1x512xf32, #tpu.memory_space<hbm>> -> memref<512xf32, #tpu.memory_space<hbm>>
      tpu.enqueue_dma source(%arg21 : memref<512xf32, #tpu.memory_space<vmem>>) target(%dma_start3A_109 : memref<512xf32, #tpu.memory_space<hbm>>) target_semaphore(%run_scoped3A_105 : memref<!tpu.dma_semaphore, #tpu.memory_space<semaphore_mem>>)
      %dma_wait3A_110 = tpu.memref_slice %arg13[%run_scoped3A_104, %mul3A_4] : memref<1x16384xf32, #tpu.memory_space<hbm>> -> memref<1x512xf32, #tpu.memory_space<hbm>>
      %dma_wait3A_111 = tpu.memref_squeeze %dma_wait3A_110 : memref<1x512xf32, #tpu.memory_space<hbm>> -> memref<512xf32, #tpu.memory_space<hbm>>
      %dma_wait3A_112 = tpu.memref_slice %arg13[%run_scoped3A_104, %mul3A_4] : memref<1x16384xf32, #tpu.memory_space<hbm>> -> memref<1x512xf32, #tpu.memory_space<hbm>>
      %dma_wait3A_113 = tpu.memref_squeeze %dma_wait3A_112 : memref<1x512xf32, #tpu.memory_space<hbm>> -> memref<512xf32, #tpu.memory_space<hbm>>
      tpu.wait_dma2 semaphore(%run_scoped3A_105 : memref<!tpu.dma_semaphore, #tpu.memory_space<semaphore_mem>>) src(%arg21 : memref<512xf32, #tpu.memory_space<vmem>>) dst(%dma_wait3A_113 : memref<512xf32, #tpu.memory_space<hbm>>)
      tpu.yield
    }) : () -> ()
    return
  }
}

</mosaic_0001>

<sc_bundles>
// kernel: _sc_gather.3.cloned.1.call-start
scs
__scs_entry_jumppad:
0x0: {  	(pc) =	sbr.rel $0x88, $3  }
0x1: {  	(tag) =	ssettag $0x0;
	lr =	simm.s32 $0x1  }
0x2: {  	[smem:$0x3F99] =	sst lr;
	_ =	strace $0xD0000000  }
0x3: {  	_ = 	snop  }
0x4: {  	_ = 	snop  }
0x5: {  	_ = 	snop  }
0x6: {  	_ = 	snop  }
0x7: {  	_ = 	snop  }
__scs_overlays_trampoline_lowered:
0x8: {  	[smem:$0x3FA8] =	sst s0  }
0x9: {  	[smem:$0x3FA9] =	sst s1  }
0xa: {  	[smem:$0x3FAA] =	sst s2  }
0xb: {  	[smem:$0x3FAB] =	sst s3  }
0xc: {  	[smem:$0x3FAC] =	sst s4  }
0xd: {  	[smem:$0x3FAD] =	sst s5  }
0xe: {  	[smem:$0x3FAE] =	sst s6  }
0xf: {  	[smem:$0x3FAF] =	sst s7  }
0x10: {  	[smem:$0x3FB0] =	sst s8  }
0x11: {  	[smem:$0x3FB1] =	sst s9;
	s0 =	simm.s32 @!p0 $0x0  }
0x12: {  	s1 =	sld [smem:$0x3F97];
	s0 =	simm.s32 @p0 $0x1  }
0x13: {  	[smem:$0x3FB2] =	sst s0;
	s0 =	simm.s32 @!p1 $0x0  }
0x14: {  	s2 =	sld [smem:$0x3F96];
	s0 =	simm.s32 @p1 $0x1  }
0x15: {  	[smem:$0x3FB3] =	sst s0;
	s0 =	simm.s32 @!p2 $0x0  }
0x16: {  	s3 =	sld [smem:$0x3FDB];
	s0 =	simm.s32 @p2 $0x1  }
0x17: {  	s4 =	simm.s32 $0x1BF5;
	[smem:$0x3FB5] =	sst s0  }
0x18: {  	s0 =	sld [smem:$0x3F98];
	_ =	swait.ge [sflag:s4], $0x0  }
0x19: {  	s7 =	sld [smem:$0x3F99]  }
0x1a: {  	s8 =	sadd.s32 $0xFFFFE003, lr  }
0x1b: {  	s9 =	sadd.s32 $0xFFFFFEF7, lr;
	s5 =	simm.s32 $0xFFFFFFFF;
	p2 =	slt.u32 s8, $0xFFFFF086  }
0x1c: {  	p1 =	slt.u32 s9, $0xF7A;
	s5 =	simm.s32 @!p2 $0x0  }
0x1d: {  	s5 =	simm.s32 @p1 $0x1;
	p0 =	seq.s32 s7, s2  }
0x1e: {  	s7 =	smul.u32 @!p0 $0xF7A, s2;
	p2 =	seq.s32 @!p0 s5, $0x0  }
0x1f: {  	s9 =	smul.u32 $0xF7A, s1;
	s8 =	simm.s32 @!p0 $0x1BF5;
	p2 =	por !p2, p0  }
0x20: {  	[sflag:s8] =	ssyncset.s32 @!p0 $0xFFFFF086;
	s6 =	sadd.s32 @!p0 s3, s7;
	s7 =	simm.s32 @!p0 $0x108  }
0x21: {  	s3 =	sadd.s32 s3, s9;
	s6 =	sadd.s32 @!p0 $0x88, s6;
	s7 =	simm.s32 @p2 $0x1082  }
0x22: {  	[simem:s7], [sflag:s8] =	dma.local @!p0 [hbm:s6], $0xF7A  }
0x23: {  	s9 =	sor.u32 $0xD0000000, s2;
	s6 =	simm.s32 $0x108;
	_ =	swait.ge @!p0 [sflag:s8], $0x0  }
0x24: {  	s3 =	sadd.s32 $0x88, s3;
	s6 =	simm.s32 @!p1 $0x1082;
	[sflag:s4] =	ssyncset.s32 $0xFFFFF086  }
0x25: {  	[simem:s6], [sflag:s4] =	dma.local [hbm:s3], $0xF7A  }
0x26: {  	[smem:$0x3F99] =	sst s1;
	(tag) =	ssettag s2;
	_ =	strace s9  }
0x27: {  	s1 =	sld [smem:$0x3FA9]  }
0x28: {  	s2 =	sld [smem:$0x3FAA]  }
0x29: {  	s4 =	sld [smem:$0x3FAC]  }
0x2a: {  	p0 =	seq.s32 s5, $0x0;
	s5 =	sld [smem:$0x3FAD]  }
0x2b: {  	s6 =	sld [smem:$0x3FAE]  }
0x2c: {  	s7 =	sld [smem:$0x3FAF]  }
0x2d: {  	s3 =	simm.s32 $0x108;
	s8 =	sld [smem:$0x3FB0]  }
0x2e: {  	s3 =	simm.s32 @!p0 $0x1082;
	s9 =	sld [smem:$0x3FB1]  }
0x2f: {  	lr =	sadd.s32 s0, s3;
	s0 =	sld [smem:$0x3FA8]  }
0x30: {  	s3 =	sld [smem:$0x3FAB]  }
0x31: {  	[smem:$0x3FB4] =	sst s10  }
0x32: {  	s10 =	sld [smem:$0x3FB2];
	_ =	sdelay $0x3  }
0x33: {  	p0 =	seq.s32 s10, $0x1;
	s10 =	sld [smem:$0x3FB4];
	_ =	sdelay $0x3  }
0x34: {  	[smem:$0x3FB4] =	sst s10  }
0x35: {  	s10 =	sld [smem:$0x3FB3];
	_ =	sdelay $0x3  }
0x36: {  	p1 =	seq.s32 s10, $0x1;
	s10 =	sld [smem:$0x3FB4];
	_ =	sdelay $0x3  }
0x37: {  	[smem:$0x3FB4] =	sst s10  }
0x38: {  	s10 =	sld [smem:$0x3FB5]  }
0x39: {  	_ = 	snop;
	(pc) =	sbr.ind lr, $3  }
0x3a: {  	_ = 	snop  }
0x3b: {  	_ = 	snop  }
0x3c: {  	p2 =	seq.s32 s10, $0x1;
	s10 =	sld [smem:$0x3FB4]  }
0x3d: {  	_ =	shalt  }
0x3e: {  	_ =	shalt  }
0x3f: {  	_ =	shalt  }
0x40: {  	_ =	shalt  }
0x41: {  	_ =	shalt  }
0x42: {  	_ =	shalt  }
0x43: {  	_ =	shalt  }
0x44: {  	_ =	shalt  }
0x45: {  	_ =	shalt  }
0x46: {  	_ =	shalt  }
0x47: {  	_ =	shalt  }
0x48: {  	_ =	shalt  }
0x49: {  	_ =	shalt  }
0x4a: {  	_ =	shalt  }
0x4b: {  	_ =	shalt  }
0x4c: {  	_ =	shalt  }
0x4d: {  	_ =	shalt  }
0x4e: {  	_ =	shalt  }
0x4f: {  	_ =	shalt  }
0x50: {  	_ =	shalt  }
0x51: {  	_ =	shalt  }
0x52: {  	_ =	shalt  }
0x53: {  	_ =	shalt  }
0x54: {  	_ =	shalt  }
0x55: {  	_ =	shalt  }
0x56: {  	_ =	shalt  }
0x57: {  	_ =	shalt  }
0x58: {  	_ =	shalt  }
0x59: {  	_ =	shalt  }
0x5a: {  	_ =	shalt  }
0x5b: {  	_ =	shalt  }
0x5c: {  	_ =	shalt  }
0x5d: {  	_ =	shalt  }
0x5e: {  	_ =	shalt  }
0x5f: {  	_ =	shalt  }
0x60: {  	_ =	shalt  }
0x61: {  	_ =	shalt  }
0x62: {  	_ =	shalt  }
0x63: {  	_ =	shalt  }
0x64: {  	_ =	shalt  }
0x65: {  	_ =	shalt  }
0x66: {  	_ =	shalt  }
0x67: {  	_ =	shalt  }
0x68: {  	_ =	shalt  }
0x69: {  	_ =	shalt  }
0x6a: {  	_ =	shalt  }
0x6b: {  	_ =	shalt  }
0x6c: {  	_ =	shalt  }
0x6d: {  	_ =	shalt  }
0x6e: {  	_ =	shalt  }
0x6f: {  	_ =	shalt  }
0x70: {  	_ =	shalt  }
0x71: {  	_ =	shalt  }
0x72: {  	_ =	shalt  }
0x73: {  	_ =	shalt  }
0x74: {  	_ =	shalt  }
0x75: {  	_ =	shalt  }
0x76: {  	_ =	shalt  }
0x77: {  	_ =	shalt  }
0x78: {  	_ =	shalt  }
0x79: {  	_ =	shalt  }
0x7a: {  	_ =	shalt  }
0x7b: {  	_ =	shalt  }
0x7c: {  	_ =	shalt  }
0x7d: {  	_ =	shalt  }
0x7e: {  	_ =	shalt  }
0x7f: {  	_ =	shalt  }
0x80: {  	_ =	shalt  }
0x81: {  	_ =	shalt  }
0x82: {  	_ =	shalt  }
0x83: {  	_ =	shalt  }
0x84: {  	_ =	shalt  }
0x85: {  	_ =	shalt  }
0x86: {  	_ =	shalt  }
0x87: {  	_ =	shalt  }
.Lfunc_end0:
.L_simem_size_0:
called_computation_lowered:
.L_overlay_start_0:
0x88: {  	s2 =	sld [smem:$0x3FD9]  }
0x89: {  	s3 =	sld [smem:$0x3FFE];
	_ =	sdelay $0x1  }
0x8a: {  	s1 =	srdreg.scid  }
0x8b: {  	s0 =	sand.u32 $0x1, s1  }
0x8c: {  	s25 =	sshll.u32 s0, $0xA;
	s2 =	sadd.s32 s3, s2  }
0x8d: {  	s2 =	sadd.s32 s2, s25  }
0x8e: {  	[smem:$0x3FC0] =	sst s2  }
0x8f: {  	_ = 	snop  }
0x90: {  	s2 =	sld [smem:$0x3FC9]  }
0x91: {  	s3 =	sld [smem:$0x3FC8]  }
0x92: {  	s4 =	sld [smem:$0x3FC7]  }
0x93: {  	s5 =	sld [smem:$0x3FC6]  }
0x94: {  	s6 =	sld [smem:$0x3FC5]  }
0x95: {  	s10 =	sld [smem:$0x3FD0]  }
0x96: {  	s7 =	sld [smem:$0x3FC4]  }
0x97: {  	s8 =	sld [smem:$0x3FC3]  }
0x98: {  	s13 =	simm.s32 $0xA;
	s11 =	simm.s32 $0x10;
	s9 =	sld [smem:$0x3FC2]  }
0x99: {  	[smem:s11], [sflag:s13] =	dma.local [hbm:s10], $0x1  }
0x9a: {  	_ =	swait.eq [sflag:s13], $0x1  }
0x9b: {  	s12 =	sld [smem:$0x11]  }
0x9c: {  	s10 =	sld [smem:$0x12]  }
0x9d: {  	s11 =	sld [smem:$0x13];
	[sflag:s13] =	ssyncset.done $0x0  }
0x9e: {  	s14 =	sld [smem:$0x14];
	[sflag:s13] =	ssyncadd.s32 $0xFFFFFFFF  }
0x9f: {  	s13 =	sld [smem:$0x15];
	(tm) =	ssettm $0x1  }
0xa0: {  	s15 =	sld [smem:$0x3FFB];
	_ =	sdelay $0x3  }
0xa1: {  	_ =	strace s15  }
0xa2: {  	s15 =	sld [smem:$0x3FFC];
	_ =	sdelay $0x3  }
0xa3: {  	_ =	strace s15  }
0xa4: {  	s15 =	sld [smem:$0x3FFD];
	_ =	sdelay $0x3  }
0xa5: {  	_ =	strace s15  }
0xa6: {  	_ =	strace $0x8FFFFFFF  }
0xa7: {  	s26 =	sld [smem:$0x3FDB];
	_ =	sdelay $0x1  }
0xa8: {  	s16 =	simm.s32 $_scs_section_size  }
0xa9: {  	s17 =	simm.s32 $_size__tile_task_arg_handler_lowered;
	s18 =	simm.s32 $_tile_task_arg_handler_lowered  }
0xaa: {  	s30 =	simm.s32 $0x1BFF;
	s29 =	sshll.u32 s18, $0x1;
	s16 =	sadd.s32 s16, s26  }
0xab: {  	s19 =	simm.s32 $0x60;
	s28 =	sshll.u32 s17, $0x1;
	s17 =	sadd.s32 s29, s16  }
0xac: {  	[timem:s19], [sflag:s30] =	dma.local [hbm:s17], s28  }
0xad: {  	_ =	swait.ge [sflag:s30], s28  }
0xae: {  	s31 =	simm.s32 $_tile_overlayer_lowered;
	s15 =	ssub.s32 $0x0, s28;
	[sflag:s30] =	ssyncset.done $0x0  }
0xaf: {  	s19 =	simm.s32 $_size__tile_overlayer_lowered;
	s17 =	sshll.u32 s31, $0x1;
	[sflag:s30] =	ssyncadd.s32 s15  }
0xb0: {  	s21 =	simm.s32 $0x0;
	s20 =	sshll.u32 s19, $0x1;
	s17 =	sadd.s32 s17, s16  }
0xb1: {  	[timem:s21], [sflag:s30] =	dma.local [hbm:s17], s20  }
0xb2: {  	_ =	swait.ge [sflag:s30], s20  }
0xb3: {  	s22 =	ssub.s32 $0x0, s20;
	[sflag:s30] =	ssyncset.done $0x0  }
0xb4: {  	[sflag:s30] =	ssyncadd.s32 s22;
	_ =	sdelay $0x1  }
0xb5: {  	s23 =	simm.s32 $0x1B8B  }
0xb6: {  	_ =	swait.ge [sflag:s23], $0x1  }
0xb7: {  	[sflag:s23] =	ssyncset.done $0x0  }
0xb8: {  	s25 =	simm.s32 $0x1B8E;
	s24 =	sld [smem:$0x3FFE];
	[sflag:s23] =	ssyncadd.s32 $0xFFFFFFFF  }
0xb9: {  	s26 =	simm.s32 $execute0_lowered;
	[smem:$0x3FD2] =	sst s25  }
0xba: {  	s18 =	sshll.u32 s26, $0x1;
	_ =	strace $0x80000046;
	[dreg:$0x1] =	wrdreg $0xFFFFFFFF  }
0xbb: {  	s16 =	sadd.s32 s16, s18;
	s28 =	simm.s32 $_size_execute0_lowered;
	[dreg:$0x0] =	wrdreg $0x0  }
0xbc: {  	s18 =	sshll.u32 s28, $0x1;
	[dreg:$0x2] =	wrdreg s16  }
0xbd: {  	[dreg:$0x3] =	wrdreg s18  }
0xbe: {  	[dreg:$0x4] =	wrdreg $0xC0  }
0xbf: {  	_ =	task [dreg:s21], $0x5FFFF  }
0xc0: {  	[dreg:$0x1] =	wrdreg $0xFFFFFFFF  }
0xc1: {  	[dreg:$0x0] =	wrdreg $0x30  }
0xc2: {  	[dreg:$0x2] =	wrdreg $0x0  }
0xc3: {  	[dreg:$0x3] =	wrdreg $0x9  }
0xc4: {  	_ =	task [dreg:s21], $0x4FFFF  }
0xc5: {  	[dreg:$0x1] =	wrdreg $0xFFFFFFFF  }
0xc6: {  	[dreg:$0x0] =	wrdreg $0x60  }
0xc7: {  	[dreg:$0x2] =	wrdreg s2  }
0xc8: {  	[dreg:$0x3] =	wrdreg s3  }
0xc9: {  	[dreg:$0x4] =	wrdreg s4  }
0xca: {  	[dreg:$0x5] =	wrdreg s5  }
0xcb: {  	[dreg:$0x6] =	wrdreg s6  }
0xcc: {  	[dreg:$0x7] =	wrdreg s7  }
0xcd: {  	[dreg:$0x8] =	wrdreg s8  }
0xce: {  	[dreg:$0x9] =	wrdreg s9  }
0xcf: {  	[dreg:$0xa] =	wrdreg s12  }
0xd0: {  	[dreg:$0xb] =	wrdreg s14  }
0xd1: {  	[dreg:$0xc] =	wrdreg s10  }
0xd2: {  	[dreg:$0xd] =	wrdreg s11  }
0xd3: {  	[dreg:$0xe] =	wrdreg s13  }
0xd4: {  	[dreg:$0xf] =	wrdreg s24  }
0xd5: {  	_ =	task.clear_ibuf [dreg:s21], $0x10FFFF;
	_ =	strace $0x90000046  }
0xd6: {  	s29 =	simm.s32 $0x9;
	_ =	strace $0x80000048  }
0xd7: {  	_ =	swait.ge [sflag:s29], $0x1  }
0xd8: {  	[sflag:s29] =	ssyncadd.s32 $0xFFFFFFFF  }
0xd9: {  	_ =	strace $0x90000048  }
0xda: {  	_ =	sfence  }
0xdb: {  	s30 =	sld [smem:$0x0];
	_ =	sdelay $0x2  }
0xdc: {  	s31 =	sshll.u32 s1, $0xD;
	s1 =	sshrl.u32 s1, $0x2  }
0xdd: {  	s3 =	sand.u32 $0x4000, s31;
	s1 =	sadd.s32 s1, s30  }
0xde: {  	s0 =	sor.u32 s3, s0;
	s1 =	sshll.u32 s1, $0x11  }
0xdf: {  	s0 =	sor.u32 s1, s0  }
0xe0: {  	s0 =	sadd.s32 $0x8F2B, s0  }
0xe1: {  	[sflag:s0] =	ssyncadd.remote.s32 $0x1  }
0xe2: {  	_ =	sfence.sel $0xFFFF  }
0xe3: {  	[dreg:$0x0] =	wrdreg $0xFFFFFFFF;
	(pc) =	sbr.abs _section_cstart, $3  }
0xe4: {  	[dreg:$0x1] =	wrdreg $0xFFFFFFFF  }
0xe5: {  	_ =	task.clear_ibuf [dreg:s21], $0x2FFFF;
	_ =	strace $0x9FFFFFFF  }
0xe6: {  	(tm) =	ssettm $0x7FFFFFFF  }
0xe7: {  	_ =	shalt  }
tec
_tile_task_arg_handler_lowered:
.L_overlay_start_1:
0x0: {  	(tag) =	ssettag $0x1  }
0x1: {  	s0 =	rddreg [dreg:$0x0]  }
0x2: {  	s1 =	rddreg [dreg:$0x1]  }
0x3: {  	s2 =	rddreg [dreg:$0x2]  }
0x4: {  	s3 =	rddreg [dreg:$0x3]  }
0x5: {  	s4 =	rddreg [dreg:$0x4]  }
0x6: {  	s5 =	rddreg [dreg:$0x5]  }
0x7: {  	s6 =	rddreg [dreg:$0x6]  }
0x8: {  	s7 =	rddreg [dreg:$0x7]  }
0x9: {  	s8 =	rddreg [dreg:$0x8]  }
0xa: {  	s9 =	rddreg [dreg:$0x9]  }
0xb: {  	s10 =	rddreg [dreg:$0xa]  }
0xc: {  	s11 =	rddreg [dreg:$0xb]  }
0xd: {  	s12 =	rddreg [dreg:$0xc]  }
0xe: {  	s13 =	rddreg [dreg:$0xd]  }
0xf: {  	[smem:s0] =	sst s1  }
0x10: {  	[smem:s0+$0x1] =	sst s2  }
0x11: {  	[smem:s0+$0x2] =	sst s3  }
0x12: {  	[smem:s0+$0x3] =	sst s4  }
0x13: {  	[smem:s0+$0x4] =	sst s5  }
0x14: {  	[smem:s0+$0x5] =	sst s6  }
0x15: {  	[smem:s0+$0x6] =	sst s7  }
0x16: {  	[smem:s0+$0x7] =	sst s8  }
0x17: {  	[smem:s0+$0x8] =	sst s9  }
0x18: {  	[smem:s0+$0x9] =	sst s10  }
0x19: {  	[smem:s0+$0xA] =	sst s11  }
0x1a: {  	[smem:s0+$0xB] =	sst s12  }
0x1b: {  	[smem:s0+$0xC] =	sst s13;
	_ =	shalt  }
.Lfunc_end2:
execute0_lowered:
.L_overlay_start_2:
0x1c: {  	(tag) =	ssettag $0x2  }
0x1d: {  	s1 =	rddreg [dreg:$0x0]  }
0x1e: {  	s6 =	rddreg [dreg:$0x1]  }
0x1f: {  	s0 =	rddreg [dreg:$0x2]  }
0x20: {  	s10 =	rddreg [dreg:$0x3]  }
0x21: {  	s2 =	rddreg [dreg:$0x4]  }
0x22: {  	s3 =	rddreg [dreg:$0x5]  }
0x23: {  	s4 =	rddreg [dreg:$0x6]  }
0x24: {  	s5 =	rddreg [dreg:$0x7]  }
0x25: {  	s7 =	rddreg [dreg:$0x8]  }
0x26: {  	s9 =	rddreg [dreg:$0x9]  }
0x27: {  	s11 =	rddreg [dreg:$0xa]  }
0x28: {  	s12 =	rddreg [dreg:$0xb]  }
0x29: {  	s13 =	rddreg [dreg:$0xc]  }
0x2a: {  	s14 =	rddreg [dreg:$0xd];
	s15 =	srdreg.scid;
	s8 =	simm.s32 $0x0  }
0x2b: {  	s16 =	stileid.u32;
	s19 =	simm.s32 $0x200;
	s20 =	simm.s32 $0x80  }
0x2c: {  	s28 =	simm.s32 $0x4600;
	s15 =	sand.u32 $0x1, s15;
	[smem:$0x7FF] =	sst s8  }
0x2d: {  	s16 =	sshll.u32 s16, $0x7;
	s17 =	sshll.u32 s15, $0x6;
	s18 =	sld [smem:$0x0]  }
0x2e: {  	s30 =	simm.s32 $0x1;
	s15 =	ssub.s32 $0x2, s15;
	s16 =	sor.u32 s17, s16  }
0x2f: {  	s31 =	simm.s32 $0x4000;
	s21 =	sshrl.u32 s15, $0x1;
	s14 =	sadd.s32 s16, s14  }
0x30: {  	s17 =	ssub.s32 s15, s21;
	s1 =	sadd.s32 s1, s16;
	[dreg:$0xe] =	wrdreg s18  }
0x31: {  	s22 =	sadd.s32 s6, s16;
	_ =	strace $0x80000047;
	[dreg:$0xf] =	wrdreg s1  }
0x32: {  	s23 =	sadd.s32 s7, s16;
	s24 =	sadd.s32 s9, s16;
	[dreg:$0x10] =	wrdreg s22  }
0x33: {  	s25 =	sadd.s32 s13, s16;
	s29 =	sadd.s32 s11, s16;
	[dreg:$0x11] =	wrdreg s23  }
0x34: {  	s16 =	sadd.s32 s12, s16;
	s21 =	simm.s32 $0x280;
	[dreg:$0x12] =	wrdreg s24  }
0x35: {  	s7 =	simm.s32 $0x0;
	s26 =	sadd.s32 $0xC00, s14;
	[dreg:$0x13] =	wrdreg s25  }
0x36: {  	s17 =	smax.u32 s17, $0x1;
	s18 =	simm.s32 $0x2;
	[dreg:$0x14] =	wrdreg s26  }
0x37: {  	[dreg:$0x15] =	wrdreg s29;
	s22 =	simm.s32 $0x100;
	s23 =	simm.s32 $0x300  }
0x38: {  	s24 =	simm.s32 $0x180;
	s25 =	simm.s32 $0x380;
	s26 =	simm.s32 $0x4400  }
.LBB3_1:
0x39: {  	s1 =	rddreg [dreg:$0xf]  }
0x3a: {  	[tilespmem:s8], [sflag:$0x2] =	stream.linear.gather [hbm4b:s1+s8], $0x200, $0x38;
	[tilespmem:$0xC800] =	vst v63  }
0x3b: {  	_ =	swait.ge [sflag:s18], $0x200  }
0x3c: {  	[sflag:s18] =	ssyncset.done $0x0  }
0x3d: {  	s15 =	rddreg [dreg:$0x10];
	[sflag:s18] =	ssyncadd.s32 $0xFFFFFE00  }
0x3e: {  	[tilespmem:s19], [sflag:$0x2] =	stream.linear.gather [hbm4b:s15+s8], $0x200, $0x38;
	[tilespmem:$0xC800] =	vst v63  }
0x3f: {  	_ =	swait.ge [sflag:s18], $0x200  }
0x40: {  	[sflag:s18] =	ssyncset.done $0x0  }
0x41: {  	s6 =	simm.s32 $0x400;
	[sflag:s18] =	ssyncadd.s32 $0xFFFFFE00  }
0x42: {  	[tilespmem:s6], [sflag:$0x1] =	stream.indirect.gather [hbm4b:s0+s20], $0x1, s8, s20, $0xb8;
	[tilespmem:$0xC800] =	vst v63  }
0x43: {  	s9 =	simm.s32 $0x2400  }
0x44: {  	[tilespmem:s9], [sflag:$0x1] =	stream.indirect.gather [hbm4b:s10+s20], $0x1, s19, s20, $0xb8;
	[tilespmem:$0xC800] =	vst v63  }
0x45: {  	s11 =	simm.s32 $0x480  }
0x46: {  	[tilespmem:s11], [sflag:$0x1] =	stream.indirect.gather [hbm4b:s0+s20], $0x1, s20, s20, $0xb8;
	[tilespmem:$0xC800] =	vst v63  }
0x47: {  	s12 =	simm.s32 $0x2480;
	s13 =	simm.s32 $0x500  }
0x48: {  	[tilespmem:s12], [sflag:$0x1] =	stream.indirect.gather [hbm4b:s10+s20], $0x1, s21, s20, $0xb8;
	[tilespmem:$0xC800] =	vst v63  }
0x49: {  	s14 =	simm.s32 $0x2500;
	s29 =	sadd.s32 $0x1E850, s10;
	s1 =	smov.u32 s10  }
0x4a: {  	[tilespmem:s13], [sflag:$0x1] =	stream.indirect.gather [hbm4b:s0+s20], $0x1, s22, s20, $0xb8;
	[tilespmem:$0xC800] =	vst v63  }
0x4b: {  	s15 =	simm.s32 $0x580;
	s6 =	simm.s32 $0x200;
	s9 =	sadd.s32 $0x1E850, s0  }
0x4c: {  	[tilespmem:s14], [sflag:$0x1] =	stream.indirect.gather [hbm4b:s10+s20], $0x1, s23, s20, $0xb8;
	[tilespmem:$0xC800] =	vst v63  }
0x4d: {  	s11 =	simm.s32 $0x1000;
	s12 =	simm.s32 $0x0;
	s13 =	simm.s32 $0x2580  }
0x4e: {  	[tilespmem:s15], [sflag:$0x1] =	stream.indirect.gather [hbm4b:s0+s20], $0x1, s24, s20, $0xb8;
	[tilespmem:$0xC800] =	vst v63  }
.LBB3_2:
0x4f: {  	[tilespmem:s13], [sflag:$0x1] =	stream.indirect.gather [hbm4b:s1+s20], $0x1, s25, s20, $0xb8;
	[tilespmem:$0xC800] =	vst v63  }
0x50: {  	s13 =	smov.u32 s6;
	s6 =	smov.u32 s11;
	s1 =	smov.u32 s29  }
0x51: {  	s14 =	sadd.s32 $0x800, s11;
	s6 =	sshra.s32 s6, $0x2;
	s15 =	sadd.s32 $0x400, s13  }
0x52: {  	[tilespmem:s15], [sflag:$0x1] =	stream.indirect.gather [hbm4b:s9+s20], $0x1, s12, s20, $0xb8;
	[tilespmem:$0xC800] =	vst v63  }
0x53: {  	p0 =	sne.s32 s11, $0x7800;
	s11 =	sadd.s32 $0x2400, s13  }
0x54: {  	[tilespmem:s11], [sflag:$0x1] =	stream.indirect.gather [hbm4b:s29+s20], $0x1, s19, s20, $0xb8;
	[tilespmem:$0xC800] =	vst v63  }
0x55: {  	s11 =	sadd.s32 $0x480, s13  }
0x56: {  	[tilespmem:s11], [sflag:$0x1] =	stream.indirect.gather [hbm4b:s9+s20], $0x1, s20, s20, $0xb8;
	[tilespmem:$0xC800] =	vst v63  }
0x57: {  	s11 =	sadd.s32 $0x2480, s13  }
0x58: {  	[tilespmem:s11], [sflag:$0x1] =	stream.indirect.gather [hbm4b:s29+s20], $0x1, s21, s20, $0xb8;
	[tilespmem:$0xC800] =	vst v63  }
0x59: {  	s11 =	sadd.s32 $0x500, s13  }
0x5a: {  	[tilespmem:s11], [sflag:$0x1] =	stream.indirect.gather [hbm4b:s9+s20], $0x1, s22, s20, $0xb8;
	[tilespmem:$0xC800] =	vst v63  }
.Ltmp0:
0x5b: {  	s11 =	sadd.s32 $0x2500, s13;
	(pc) =	sbr.rel @p0 .LBB3_2-.Ltmp0, $4  }
0x5c: {  	[tilespmem:s11], [sflag:$0x1] =	stream.indirect.gather [hbm4b:s29+s20], $0x1, s23, s20, $0xb8;
	[tilespmem:$0xC800] =	vst v63  }
0x5d: {  	s12 =	simm.s32 $0x0;
	s11 =	sadd.s32 $0x580, s13;
	s29 =	sadd.s32 $0x1E850, s29  }
0x5e: {  	[tilespmem:s11], [sflag:$0x1] =	stream.indirect.gather [hbm4b:s9+s20], $0x1, s24, s20, $0xb8;
	[tilespmem:$0xC800] =	vst v63  }
0x5f: {  	s13 =	sadd.s32 $0x2580, s13;
	s9 =	sadd.s32 $0x1E850, s9;
	s11 =	smov.u32 s14  }
0x60: {  	[tilespmem:s13], [sflag:$0x1] =	stream.indirect.gather [hbm4b:s1+s20], $0x1, s25, s20, $0xb8;
	[tilespmem:$0xC800] =	vst v63  }
0x61: {  	s13 =	sadd.s32 $0x400, s6  }
0x62: {  	[tilespmem:s13], [sflag:$0x1] =	stream.indirect.gather [hbm4b:s9+s20], $0x1, s12, s20, $0xb8;
	[tilespmem:$0xC800] =	vst v63  }
0x63: {  	s14 =	sadd.s32 $0x2400, s6  }
0x64: {  	[tilespmem:s14], [sflag:$0x1] =	stream.indirect.gather [hbm4b:s29+s20], $0x1, s19, s20, $0xb8;
	[tilespmem:$0xC800] =	vst v63  }
0x65: {  	s15 =	sadd.s32 $0x480, s6  }
0x66: {  	[tilespmem:s15], [sflag:$0x1] =	stream.indirect.gather [hbm4b:s9+s20], $0x1, s20, s20, $0xb8;
	[tilespmem:$0xC800] =	vst v63  }
0x67: {  	s11 =	sadd.s32 $0x2480, s6  }
0x68: {  	[tilespmem:s11], [sflag:$0x1] =	stream.indirect.gather [hbm4b:s29+s20], $0x1, s21, s20, $0xb8;
	[tilespmem:$0xC800] =	vst v63  }
0x69: {  	s12 =	sadd.s32 $0x500, s6  }
0x6a: {  	[tilespmem:s12], [sflag:$0x1] =	stream.indirect.gather [hbm4b:s9+s20], $0x1, s22, s20, $0xb8;
	[tilespmem:$0xC800] =	vst v63  }
0x6b: {  	s13 =	sadd.s32 $0x2500, s6  }
0x6c: {  	[tilespmem:s13], [sflag:$0x1] =	stream.indirect.gather [hbm4b:s29+s20], $0x1, s23, s20, $0xb8;
	[tilespmem:$0xC800] =	vst v63  }
0x6d: {  	s14 =	sadd.s32 $0x580, s6  }
0x6e: {  	[tilespmem:s14], [sflag:$0x1] =	stream.indirect.gather [hbm4b:s9+s20], $0x1, s24, s20, $0xb8;
	[tilespmem:$0xC800] =	vst v63  }
0x6f: {  	s15 =	sadd.s32 $0x2580, s6  }
0x70: {  	[tilespmem:s15], [sflag:$0x1] =	stream.indirect.gather [hbm4b:s29+s20], $0x1, s25, s20, $0xb8;
	[tilespmem:$0xC800] =	vst v63  }
0x71: {  	s6 =	simm.s32 $0x4800  }
0x72: {  	[tilespmem:s6], [sflag:$0x1] =	stream.indirect.gather [hbm4b:s4+s20], $0x1, s8, s20, $0xb8;
	[tilespmem:$0xC800] =	vst v63  }
0x73: {  	s9 =	simm.s32 $0x8800  }
0x74: {  	[tilespmem:s9], [sflag:$0x1] =	stream.indirect.gather [hbm4b:s5+s20], $0x1, s19, s20, $0xb8;
	[tilespmem:$0xC800] =	vst v63  }
0x75: {  	s11 =	simm.s32 $0x4880  }
0x76: {  	[tilespmem:s11], [sflag:$0x1] =	stream.indirect.gather [hbm4b:s4+s20], $0x1, s20, s20, $0xb8;
	[tilespmem:$0xC800] =	vst v63  }
0x77: {  	s12 =	simm.s32 $0x8880  }
0x78: {  	[tilespmem:s12], [sflag:$0x1] =	stream.indirect.gather [hbm4b:s5+s20], $0x1, s21, s20, $0xb8;
	[tilespmem:$0xC800] =	vst v63  }
0x79: {  	s1 =	smov.u32 s5;
	s13 =	simm.s32 $0x4900;
	s14 =	simm.s32 $0x8900  }
0x7a: {  	[tilespmem:s13], [sflag:$0x1] =	stream.indirect.gather [hbm4b:s4+s20], $0x1, s22, s20, $0xb8;
	[tilespmem:$0xC800] =	vst v63  }
0x7b: {  	s15 =	simm.s32 $0x4980;
	s29 =	sadd.s32 $0x1E850, s4;
	s6 =	sadd.s32 $0x1E850, s5  }
0x7c: {  	[tilespmem:s14], [sflag:$0x1] =	stream.indirect.gather [hbm4b:s5+s20], $0x1, s23, s20, $0xb8;
	[tilespmem:$0xC800] =	vst v63  }
0x7d: {  	s9 =	simm.s32 $0x200;
	s11 =	simm.s32 $0x1000;
	s12 =	simm.s32 $0x8980  }
0x7e: {  	[tilespmem:s15], [sflag:$0x1] =	stream.indirect.gather [hbm4b:s4+s20], $0x1, s24, s20, $0xb8;
	[tilespmem:$0xC800] =	vst v63  }
.LBB3_4:
0x7f: {  	[tilespmem:s12], [sflag:$0x1] =	stream.indirect.gather [hbm4b:s1+s20], $0x1, s25, s20, $0xb8;
	[tilespmem:$0xC800] =	vst v63  }
0x80: {  	s12 =	smov.u32 s9;
	s9 =	smov.u32 s11;
	s1 =	smov.u32 s6  }
0x81: {  	s13 =	sadd.s32 $0x800, s11;
	s9 =	sshra.s32 s9, $0x2;
	s14 =	sadd.s32 $0x4800, s12  }
0x82: {  	[tilespmem:s14], [sflag:$0x1] =	stream.indirect.gather [hbm4b:s29+s20], $0x1, s8, s20, $0xb8;
	[tilespmem:$0xC800] =	vst v63  }
0x83: {  	p0 =	sne.s32 s11, $0xF800;
	s11 =	sadd.s32 $0x8800, s12  }
0x84: {  	[tilespmem:s11], [sflag:$0x1] =	stream.indirect.gather [hbm4b:s6+s20], $0x1, s19, s20, $0xb8;
	[tilespmem:$0xC800] =	vst v63  }
0x85: {  	s11 =	sadd.s32 $0x4880, s12  }
0x86: {  	[tilespmem:s11], [sflag:$0x1] =	stream.indirect.gather [hbm4b:s29+s20], $0x1, s20, s20, $0xb8;
	[tilespmem:$0xC800] =	vst v63  }
0x87: {  	s11 =	sadd.s32 $0x8880, s12  }
0x88: {  	[tilespmem:s11], [sflag:$0x1] =	stream.indirect.gather [hbm4b:s6+s20], $0x1, s21, s20, $0xb8;
	[tilespmem:$0xC800] =	vst v63  }
0x89: {  	s11 =	sadd.s32 $0x4900, s12  }
0x8a: {  	[tilespmem:s11], [sflag:$0x1] =	stream.indirect.gather [hbm4b:s29+s20], $0x1, s22, s20, $0xb8;
	[tilespmem:$0xC800] =	vst v63  }
.Ltmp1:
0x8b: {  	s11 =	sadd.s32 $0x8900, s12;
	(pc) =	sbr.rel @p0 .LBB3_4-.Ltmp1, $4  }
0x8c: {  	[tilespmem:s11], [sflag:$0x1] =	stream.indirect.gather [hbm4b:s6+s20], $0x1, s23, s20, $0xb8;
	[tilespmem:$0xC800] =	vst v63  }
0x8d: {  	s11 =	sadd.s32 $0x4980, s12;
	s12 =	sadd.s32 $0x8980, s12  }
0x8e: {  	[tilespmem:s11], [sflag:$0x1] =	stream.indirect.gather [hbm4b:s29+s20], $0x1, s24, s20, $0xb8;
	[tilespmem:$0xC800] =	vst v63  }
0x8f: {  	s6 =	sadd.s32 $0x1E850, s6;
	s29 =	sadd.s32 $0x1E850, s29;
	s11 =	smov.u32 s13  }
0x90: {  	[tilespmem:s12], [sflag:$0x1] =	stream.indirect.gather [hbm4b:s1+s20], $0x1, s25, s20, $0xb8;
	[tilespmem:$0xC800] =	vst v63  }
0x91: {  	s14 =	sadd.s32 $0x4800, s9  }
0x92: {  	[tilespmem:s14], [sflag:$0x1] =	stream.indirect.gather [hbm4b:s29+s20], $0x1, s8, s20, $0xb8;
	[tilespmem:$0xC800] =	vst v63  }
0x93: {  	s15 =	sadd.s32 $0x8800, s9  }
0x94: {  	[tilespmem:s15], [sflag:$0x1] =	stream.indirect.gather [hbm4b:s6+s20], $0x1, s19, s20, $0xb8;
	[tilespmem:$0xC800] =	vst v63  }
0x95: {  	s11 =	sadd.s32 $0x4880, s9  }
0x96: {  	[tilespmem:s11], [sflag:$0x1] =	stream.indirect.gather [hbm4b:s29+s20], $0x1, s20, s20, $0xb8;
	[tilespmem:$0xC800] =	vst v63  }
0x97: {  	s12 =	sadd.s32 $0x8880, s9  }
0x98: {  	[tilespmem:s12], [sflag:$0x1] =	stream.indirect.gather [hbm4b:s6+s20], $0x1, s21, s20, $0xb8;
	[tilespmem:$0xC800] =	vst v63  }
0x99: {  	s13 =	sadd.s32 $0x4900, s9  }
0x9a: {  	[tilespmem:s13], [sflag:$0x1] =	stream.indirect.gather [hbm4b:s29+s20], $0x1, s22, s20, $0xb8;
	[tilespmem:$0xC800] =	vst v63  }
0x9b: {  	s14 =	sadd.s32 $0x8900, s9  }
0x9c: {  	[tilespmem:s14], [sflag:$0x1] =	stream.indirect.gather [hbm4b:s6+s20], $0x1, s23, s20, $0xb8;
	[tilespmem:$0xC800] =	vst v63  }
0x9d: {  	s15 =	sadd.s32 $0x4980, s9  }
0x9e: {  	[tilespmem:s15], [sflag:$0x1] =	stream.indirect.gather [hbm4b:s29+s20], $0x1, s24, s20, $0xb8;
	[tilespmem:$0xC800] =	vst v63  }
0x9f: {  	s29 =	sadd.s32 $0x8980, s9  }
0xa0: {  	[tilespmem:s29], [sflag:$0x1] =	stream.indirect.gather [hbm4b:s6+s20], $0x1, s25, s20, $0xb8;
	[tilespmem:$0xC800] =	vst v63  }
0xa1: {  	_ = 	snop  }
0xa2: {  	[tilespmem:s26], [sflag:$0x1] =	stream.indirect.gather [hbm4b:s2+s20], $0x1, s8, s20, $0xb8;
	[tilespmem:$0xC800] =	vst v63  }
0xa3: {  	_ = 	snop  }
0xa4: {  	[tilespmem:s28], [sflag:$0x1] =	stream.indirect.gather [hbm4b:s3+s20], $0x1, s19, s20, $0xb8;
	[tilespmem:$0xC800] =	vst v63  }
0xa5: {  	s6 =	simm.s32 $0x4480  }
0xa6: {  	[tilespmem:s6], [sflag:$0x1] =	stream.indirect.gather [hbm4b:s2+s20], $0x1, s20, s20, $0xb8;
	[tilespmem:$0xC800] =	vst v63  }
0xa7: {  	s9 =	simm.s32 $0x4680  }
0xa8: {  	[tilespmem:s9], [sflag:$0x1] =	stream.indirect.gather [hbm4b:s3+s20], $0x1, s21, s20, $0xb8;
	[tilespmem:$0xC800] =	vst v63  }
0xa9: {  	s11 =	simm.s32 $0x4500  }
0xaa: {  	[tilespmem:s11], [sflag:$0x1] =	stream.indirect.gather [hbm4b:s2+s20], $0x1, s22, s20, $0xb8;
	[tilespmem:$0xC800] =	vst v63  }
0xab: {  	s12 =	simm.s32 $0x4700  }
0xac: {  	[tilespmem:s12], [sflag:$0x1] =	stream.indirect.gather [hbm4b:s3+s20], $0x1, s23, s20, $0xb8;
	[tilespmem:$0xC800] =	vst v63  }
0xad: {  	s13 =	simm.s32 $0x4580  }
0xae: {  	[tilespmem:s13], [sflag:$0x1] =	stream.indirect.gather [hbm4b:s2+s20], $0x1, s24, s20, $0xb8;
	[tilespmem:$0xC800] =	vst v63  }
0xaf: {  	s14 =	simm.s32 $0x4780  }
0xb0: {  	[tilespmem:s14], [sflag:$0x1] =	stream.indirect.gather [hbm4b:s3+s20], $0x1, s25, s20, $0xb8;
	[tilespmem:$0xC800] =	vst v63  }
0xb1: {  	_ =	swait.ge [sflag:s30], $0x2000  }
0xb2: {  	[sflag:s30] =	ssyncset.done $0x0  }
0xb3: {  	[sflag:s30] =	ssyncadd.s32 $0xFFFFE000  }
0xb4: {  	_ =	swait.ge [sflag:s30], $0x2000  }
0xb5: {  	[sflag:s30] =	ssyncset.done $0x0  }
0xb6: {  	[sflag:s30] =	ssyncadd.s32 $0xFFFFE000  }
0xb7: {  	_ =	swait.ge [sflag:s30], $0x4000  }
0xb8: {  	[sflag:s30] =	ssyncset.done $0x0  }
0xb9: {  	[sflag:s30] =	ssyncadd.s32 $0xFFFFC000  }
0xba: {  	_ =	swait.ge [sflag:s30], $0x4000  }
0xbb: {  	[sflag:s30] =	ssyncset.done $0x0  }
0xbc: {  	[sflag:s30] =	ssyncadd.s32 $0xFFFFC000  }
0xbd: {  	_ =	swait.ge [sflag:s30], $0x200  }
0xbe: {  	[sflag:s30] =	ssyncset.done $0x0  }
0xbf: {  	[sflag:s30] =	ssyncadd.s32 $0xFFFFFE00  }
0xc0: {  	_ =	swait.ge [sflag:s30], $0x200  }
0xc1: {  	[sflag:s30] =	ssyncset.done $0x0  }
0xc2: {  	s29 =	simm.s32 $0x400;
	s15 =	rddreg [dreg:$0x11];
	[sflag:s30] =	ssyncadd.s32 $0xFFFFFE00  }
0xc3: {  	[hbm4b:s15+s19] =	stream.strided.scatter [tilespmem:s29], [sflag:$0x2], $0x2000, s31, s19, $0x38;
	[tilespmem:$0xC800] =	vst v63  }
0xc4: {  	_ =	swait.ge [sflag:s18], $0x2000  }
0xc5: {  	[sflag:s18] =	ssyncset.done $0x0  }
0xc6: {  	s11 =	simm.s32 $0x2400;
	s9 =	rddreg [dreg:$0x12];
	[sflag:s18] =	ssyncadd.s32 $0xFFFFE000  }
0xc7: {  	[hbm4b:s9+s19] =	stream.strided.scatter [tilespmem:s11], [sflag:$0x2], $0x2000, s31, s19, $0x38;
	[tilespmem:$0xC800] =	vst v63  }
0xc8: {  	_ =	swait.ge [sflag:s18], $0x2000  }
0xc9: {  	[sflag:s18] =	ssyncset.done $0x0  }
0xca: {  	s13 =	simm.s32 $0x4800;
	s12 =	rddreg [dreg:$0x13];
	[sflag:s18] =	ssyncadd.s32 $0xFFFFE000  }
0xcb: {  	[hbm4b:s12+s19] =	stream.strided.scatter [tilespmem:s13], [sflag:$0x2], $0x4000, s31, s19, $0x38;
	[tilespmem:$0xC800] =	vst v63  }
0xcc: {  	_ =	swait.ge [sflag:s18], $0x4000  }
0xcd: {  	[sflag:s18] =	ssyncset.done $0x0  }
0xce: {  	s15 =	simm.s32 $0x8800;
	s14 =	rddreg [dreg:$0x14];
	[sflag:s18] =	ssyncadd.s32 $0xFFFFC000  }
0xcf: {  	[hbm4b:s14+s19] =	stream.strided.scatter [tilespmem:s15], [sflag:$0x2], $0x4000, s31, s19, $0x38;
	[tilespmem:$0xC800] =	vst v63  }
0xd0: {  	_ =	swait.ge [sflag:s18], $0x4000  }
0xd1: {  	[sflag:s18] =	ssyncset.done $0x0  }
0xd2: {  	s29 =	rddreg [dreg:$0x15];
	[sflag:s18] =	ssyncadd.s32 $0xFFFFC000  }
0xd3: {  	[hbm4b:s29+s8] =	stream.linear.scatter [tilespmem:s26], [sflag:$0x2], $0x200, $0x38;
	[tilespmem:$0xC800] =	vst v63  }
0xd4: {  	s7 =	sadd.s32 $0x1, s7;
	_ =	swait.ge [sflag:s18], $0x200  }
0xd5: {  	p0 =	sne.s32 s7, s17;
	[sflag:s18] =	ssyncset.done $0x0  }
.Ltmp2:
0xd6: {  	[sflag:s18] =	ssyncadd.s32 $0xFFFFFE00;
	(pc) =	sbr.rel @p0 .LBB3_1-.Ltmp2, $4  }
0xd7: {  	[hbm4b:s16+s8] =	stream.linear.scatter [tilespmem:s28], [sflag:$0x2], $0x200, $0x38;
	[tilespmem:$0xC800] =	vst v63  }
0xd8: {  	_ =	swait.ge [sflag:s18], $0x200  }
0xd9: {  	[sflag:s18] =	ssyncset.done $0x0  }
0xda: {  	[sflag:s18] =	ssyncadd.s32 $0xFFFFFE00  }
0xdb: {  	_ =	sfence.sel $0x180000  }
0xdc: {  	[bflag:$0x0] =	sbarrier.arrive $0xFFFF  }
0xdd: {  	_ =	strace $0x90000047  }
0xde: {  	s0 =	stileid.u32;
	[bflag:$0x2] =	sbarrier.arrive $0xFFFF  }
0xdf: {  	p0 =	sne.s32 s0, $0x0;
	s0 =	rddreg [dreg:$0xe]  }
0xe0: {  	s0 =	sadd.s32 @!p0 $0x100000, s0  }
0xe1: {  	[sflag:s0] =	ssyncadd.tile.s32 @!p0 $0x1;
	_ =	shalt  }
.Lfunc_end3:
_tile_overlayer_lowered:
.L_overlay_start_3:
0xe2: {  	(tag) =	ssettag $0x3  }
0xe3: {  	s0 =	rddreg [dreg:$0x0];
	s2 =	stileid.u32  }
0xe4: {  	s1 =	rddreg [dreg:$0x1];
	p0 =	sne.s32 s2, $0x0  }
0xe5: {  	s3 =	rddreg [dreg:$0x2];
	[bflag:$0x3] =	sbarrier.arrive $0xFFFF;
	s2 =	simm.s32 @!p0 $0x1C02  }
0xe6: {  	[timem:s3], [sflag:s2] =	dma.local @!p0 [hbm:s0], s1  }
0xe7: {  	s0 =	simm.s32 @!p0 $0x2  }
0xe8: {  	_ =	swait.ge @!p0 [sflag:s0], s1  }
0xe9: {  	s1 =	ssub.s32 @!p0 $0x0, s1;
	[sflag:s0] =	ssyncset.done @!p0 $0x0  }
0xea: {  	[sflag:s0] =	ssyncadd.s32 @!p0 s1  }
0xeb: {  	[bflag:$0x3] =	sbarrier.arrive $0xFFFF  }
0xec: {  	_ =	shalt  }

</sc_bundles>
